<compile_context>
chip_gen: v7x
topology: tpu7x:2x2x1
jax: 0.10.2.dev20260603
libtpu: 0.0.44.dev20260713+nightly
codegen_flags: <defaults>
</compile_context>

<pallas_src>
import jax
import jax.numpy as jnp
from jax import lax
from jax.experimental import pallas as pl
from jax.experimental.pallas import tpu as pltpu
from jax.experimental.pallas import tpu_sc as plsc

BATCH = 16384
NFIELD = 20
NPREFIX = 6
VOCAB = 40000
WPAD = 2432
WTOT = 26 * VOCAB + WPAD
SBASE = 239616
SSKEW = NPREFIX * VOCAB - SBASE
WREST = 16 * 50176
WSLICE = WREST // 16
NC, NS, L = 2, 16, 16
NW = NC * NS
RPW = BATCH // NW
RCHUNKS = RPW // L


def _body(prefix_hbm, rest_hbm, w_hbm, bias_hbm, out_hbm,
          idx_ref, vals_ref, acc_ref, pidx_ref, pval_ref,
          wsp_ref, sem, sem2, sem3, sem4, sem5):
    wid = lax.axis_index("s") * NC + lax.axis_index("c")
    sid = lax.axis_index("s")
    base = wid * RPW
    lanes = lax.iota(jnp.int32, L)

    with jax.named_scope("stage_idx"):
        def stage_row(f, _):
            pltpu.async_copy(rest_hbm.at[f, pl.ds(base, RPW)],
                             idx_ref.at[pl.ds(f * RPW, RPW)], sem4)
            return _
        lax.fori_loop(0, NFIELD, stage_row, 0)

    tstage = pltpu.async_copy(
        w_hbm.at[pl.ds(SBASE + sid * WSLICE, WSLICE)],
        wsp_ref.at[pl.ds(sid * WSLICE, WSLICE)], sem2)

    pidx_ref[...] = jnp.zeros((L,), jnp.int32)
    pltpu.sync_copy(prefix_hbm, pidx_ref.at[pl.ds(0, NPREFIX)])
    pidx_ref[...] = pidx_ref[...] + jnp.where(lanes < NPREFIX,
                                              lanes * VOCAB, 0)
    pgather = pltpu.async_copy(w_hbm.at[pidx_ref], pval_ref, sem3)

    acc_ref[pl.ds(0, L)] = jnp.zeros((L,), jnp.float32)
    bias_d = pltpu.async_copy(bias_hbm, acc_ref.at[pl.ds(0, 1)], sem5)
    with jax.named_scope("scalar"):
        pgather.wait()
        bias_d.wait()
        sb_vec = (jnp.where(lanes < NPREFIX, pval_ref[...], 0.0)
                  + acc_ref[pl.ds(0, L)])
        for k in (1, 2, 4, 8):
            sb_vec = sb_vec + sb_vec.at[lanes ^ k].get(
                mode="promise_in_bounds")

    with jax.named_scope("tbl_wait"):
        pltpu.make_async_copy(rest_hbm.at[0, pl.ds(0, NFIELD * RPW)],
                              idx_ref, sem4).wait()
        tstage.wait()
        plsc.subcore_barrier()

    with jax.named_scope("fire"):
        for f in range(NFIELD):
            wv = wsp_ref.at[pl.ds(SSKEW + f * VOCAB, VOCAB)]
            pltpu.async_copy(wv.at[idx_ref.at[pl.ds(f * RPW, RPW)]],
                             vals_ref.at[pl.ds(f * RPW, RPW)], sem)

    with jax.named_scope("drain"):
        pltpu.make_async_copy(w_hbm.at[pl.ds(0, NFIELD * RPW)],
                              vals_ref, sem).wait()

    def row_chunk(c, _):
        acc0 = sb_vec
        acc1 = sb_vec
        for f in range(NFIELD):
            acc0 = acc0 + vals_ref[pl.ds(f * RPW + 2 * c * L, L)]
            acc1 = acc1 + vals_ref[pl.ds(f * RPW + (2 * c + 1) * L, L)]
        acc_ref[pl.ds(2 * c * L, L)] = acc0
        acc_ref[pl.ds((2 * c + 1) * L, L)] = acc1
        return _
    with jax.named_scope("reduce"):
        lax.fori_loop(0, RCHUNKS // 2, row_chunk, 0)

    pltpu.sync_copy(acc_ref, out_hbm.at[pl.ds(base, RPW)])


@jax.jit
def _run(prefix_index, rest_t, w_flat, bias):
    mesh = plsc.VectorSubcoreMesh(core_axis_name="c", subcore_axis_name="s",
                                  num_cores=NC, num_subcores=NS)
    f = pl.kernel(
        _body,
        out_type=jax.ShapeDtypeStruct((BATCH,), jnp.float32),
        mesh=mesh,
        scratch_types=[
            pltpu.VMEM((NFIELD * RPW,), jnp.int32),
            pltpu.VMEM((NFIELD * RPW,), jnp.float32),
            pltpu.VMEM((RPW,), jnp.float32),
            pltpu.VMEM((L,), jnp.int32),
            pltpu.VMEM((L,), jnp.float32),
            pltpu.VMEM_SHARED((WREST,), jnp.float32),
            pltpu.SemaphoreType.DMA,
            pltpu.SemaphoreType.DMA,
            pltpu.SemaphoreType.DMA,
            pltpu.SemaphoreType.DMA,
            pltpu.SemaphoreType.DMA,
        ],
        compiler_params=pltpu.CompilerParams(needs_layout_passes=False),
    )
    return f(prefix_index, rest_t, w_flat, bias)


def kernel(prefix_index, rest_index, fc_weight, bias):
    rest_t = rest_index.T
    w_flat = jnp.concatenate(
        [fc_weight, jnp.zeros((WPAD, 1), jnp.float32)]).reshape(-1)
    out = _run(prefix_index, rest_t, w_flat, bias)
    return out.reshape(BATCH, 1)

# --- scband reference (transcript-rebuilt; emitter-appended) ---
"""Pipeline reference for scband-re-features-linear-4758823764682 (READ-ONLY COPY).

The authoritative reference and input builder live on the scoring server;
editing this copy changes nothing except your own understanding.
"""

import jax, jax.numpy as jnp
import numpy as np

FIELD_DIMS = [40000] * 26
PREFIX = 6
OUTPUT_DIM = 1
BATCH = 16384
OFFSETS = np.array((0, *np.cumsum(FIELD_DIMS)[:-1]), dtype=np.int64)
TOTAL_VOCAB = int(sum(FIELD_DIMS))


def setup_inputs(seed: int = 0) -> dict:
    key = jax.random.key(seed)
    k1, k2, k3 = jax.random.split(key, 3)
    prefix_index = jax.random.randint(k1, (PREFIX,), 0, 40000)
    rest_index = jax.random.randint(k2, (BATCH, 26 - PREFIX), 0, 40000)
    fc_weight = jax.random.normal(k3, (TOTAL_VOCAB, OUTPUT_DIM), dtype=jnp.float32) * 0.01
    bias = jnp.zeros((OUTPUT_DIM,), dtype=jnp.float32)
    return {"prefix_index": prefix_index, "rest_index": rest_index, "fc_weight": fc_weight, "bias": bias}


def reference(prefix_index, rest_index, fc_weight, bias):
    prefix_offsets = jnp.asarray(OFFSETS[:PREFIX], dtype=prefix_index.dtype)
    rest_offsets = jnp.asarray(OFFSETS[PREFIX:], dtype=rest_index.dtype)
    # prefix_index: (prefix_field,) -> broadcast with (1, prefix_field) offsets -> (1, prefix_field)
    p_idx = prefix_index + prefix_offsets[None, :]
    r_idx = rest_index + rest_offsets[None, :]
    prefix_sum = jnp.sum(jnp.take(fc_weight, p_idx, axis=0)) + bias  # scalar + (1,) -> (1,)
    rest_sum = jnp.sum(jnp.take(fc_weight, r_idx, axis=0), axis=1)  # (B, 1)
    return prefix_sum + rest_sum  # (B, 1)

if __name__ == "__main__":
    import jax
    _d = setup_inputs()
    print(jax.jit(kernel)(*tuple(_d.values())))

</pallas_src>

<mosaic_0001>
#map = affine_map<(d0, d1) -> (0)>
#map1 = affine_map<(d0, d1) -> (0, 0)>
module attributes {stable_mosaic.version = 14 : i64} {
  func.func @_body(%arg0: i32, %arg1: i32, %arg2: memref<6xi32, #tpu.memory_space<hbm>>, %arg3: memref<20x16384xi32, #tpu.memory_space<hbm>>, %arg4: memref<1042432xf32, #tpu.memory_space<hbm>>, %arg5: memref<1xf32, #tpu.memory_space<hbm>>, %arg6: memref<16384xf32, #tpu.memory_space<hbm>>, %arg7: memref<10240xi32, #tpu.memory_space<vmem>>, %arg8: memref<10240xf32, #tpu.memory_space<vmem>>, %arg9: memref<512xf32, #tpu.memory_space<vmem>>, %arg10: memref<16xi32, #tpu.memory_space<vmem>>, %arg11: memref<16xf32, #tpu.memory_space<vmem>>, %arg12: memref<802816xf32, #tpu.memory_space<vmem_shared>>, %arg13: memref<!tpu.dma_semaphore, #tpu.memory_space<semaphore_mem>>, %arg14: memref<!tpu.dma_semaphore, #tpu.memory_space<semaphore_mem>>, %arg15: memref<!tpu.dma_semaphore, #tpu.memory_space<semaphore_mem>>, %arg16: memref<!tpu.dma_semaphore, #tpu.memory_space<semaphore_mem>>, %arg17: memref<!tpu.dma_semaphore, #tpu.memory_space<semaphore_mem>>) attributes {dimension_semantics = [#tpu.dimension_semantics<core_parallel>, #tpu.dimension_semantics<subcore_parallel>], iteration_bounds = array<i64: 2, 16>, scalar_prefetch = 0 : i64, scratch_operands = 11 : i64, tpu.core_type = #tpu.core_type<sc_vector_subcore>, window_params = [{transform_indices = #map}, {transform_indices = #map1}, {transform_indices = #map}, {transform_indices = #map}, {transform_indices = #map}]} {
    %mul3A = arith.constant 2 : i32
    %mul3A_0 = arith.muli %arg1, %mul3A : i32
    %add3A = arith.addi %mul3A_0, %arg0 : i32
    %mul3A_1 = arith.constant 512 : i32
    %mul3A_2 = arith.muli %add3A, %mul3A_1 : i32
    %iota3A = tpu.iota {dimensions = array<i32: 0>} : vector<16xi32>
    "tpu.trace_start"() <{level = 10 : i32, message = "stage_idx"}> : () -> ()
    %scan3A = arith.constant 0 : i32
    %scan3A_3 = arith.constant 0 : i32
    %scan3A_4 = arith.constant 20 : i32
    %scan3A_5 = arith.addi %scan3A_3, %scan3A_4 : i32
    %scan3A_6 = arith.constant 1 : i32
    scf.for %scan3A_286 = %scan3A_3 to %scan3A_5 step %scan3A_6  : i32 {
      %mul3A_287 = arith.constant 512 : i32
      %mul3A_288 = arith.muli %scan3A_286, %mul3A_287 : i32
      %dma_start3A_289 = tpu.memref_slice %arg7[%mul3A_288] : memref<10240xi32, #tpu.memory_space<vmem>> -> memref<512xi32, #tpu.memory_space<vmem>>
      %dma_start3A_290 = tpu.memref_slice %arg3[%scan3A_286, %mul3A_2] : memref<20x16384xi32, #tpu.memory_space<hbm>> -> memref<1x512xi32, #tpu.memory_space<hbm>>
      %dma_start3A_291 = tpu.memref_squeeze %dma_start3A_290 : memref<1x512xi32, #tpu.memory_space<hbm>> -> memref<512xi32, #tpu.memory_space<hbm>>
      %dma_start3A_292 = tpu.memref_slice %arg7[%mul3A_288] : memref<10240xi32, #tpu.memory_space<vmem>> -> memref<512xi32, #tpu.memory_space<vmem>>
      %dma_start3A_293 = tpu.memref_slice %arg3[%scan3A_286, %mul3A_2] : memref<20x16384xi32, #tpu.memory_space<hbm>> -> memref<1x512xi32, #tpu.memory_space<hbm>>
      %dma_start3A_294 = tpu.memref_squeeze %dma_start3A_293 : memref<1x512xi32, #tpu.memory_space<hbm>> -> memref<512xi32, #tpu.memory_space<hbm>>
      tpu.enqueue_dma source(%dma_start3A_294 : memref<512xi32, #tpu.memory_space<hbm>>) target(%dma_start3A_292 : memref<512xi32, #tpu.memory_space<vmem>>) target_semaphore(%arg16 : memref<!tpu.dma_semaphore, #tpu.memory_space<semaphore_mem>>)
    }
    %scan3A_7 = arith.constant 20 : i32
    "tpu.trace_stop"() : () -> ()
    %mul3A_8 = arith.constant 50176 : i32
    %mul3A_9 = arith.muli %arg1, %mul3A_8 : i32
    %add3A_10 = arith.constant 239616 : i32
    %add3A_11 = arith.addi %add3A_10, %mul3A_9 : i32
    %mul3A_12 = arith.constant 50176 : i32
    %mul3A_13 = arith.muli %arg1, %mul3A_12 : i32
    %dma_start3A = tpu.memref_slice %arg12[%mul3A_13] : memref<802816xf32, #tpu.memory_space<vmem_shared>> -> memref<50176xf32, #tpu.memory_space<vmem_shared>>
    %dma_start3A_14 = tpu.memref_slice %arg4[%add3A_11] : memref<1042432xf32, #tpu.memory_space<hbm>> -> memref<50176xf32, #tpu.memory_space<hbm>>
    tpu.enqueue_dma source(%dma_start3A_14 : memref<50176xf32, #tpu.memory_space<hbm>>) target(%dma_start3A : memref<50176xf32, #tpu.memory_space<vmem_shared>>) target_semaphore(%arg14 : memref<!tpu.dma_semaphore, #tpu.memory_space<semaphore_mem>>)
    %broadcast_in_dim3A = arith.constant 0 : i32
    %broadcast_in_dim3A_15 = vector.broadcast %broadcast_in_dim3A : i32 to vector<16xi32>
    %swap3A = arith.constant 0 : index
    %swap3A_16 = tpu.vector_load %arg10[%swap3A] {strides = array<i32>} : memref<16xi32, #tpu.memory_space<vmem>>, vector<16xi32>,
    tpu.vector_store %arg10[%swap3A], %broadcast_in_dim3A_15 {strides = array<i32>} : memref<16xi32, #tpu.memory_space<vmem>>, vector<16xi32>,
    "tpu.region"() ({
      %run_scoped3A = tpu.sem_alloc : memref<!tpu.dma_semaphore, #tpu.memory_space<semaphore_mem>>
      %dma_start3A_286 = arith.constant 0 : i32
      %dma_start3A_287 = tpu.memref_slice %arg10[%dma_start3A_286] : memref<16xi32, #tpu.memory_space<vmem>> -> memref<6xi32, #tpu.memory_space<vmem>>
      %dma_start3A_288 = arith.constant 0 : i32
      %dma_start3A_289 = tpu.memref_slice %arg10[%dma_start3A_288] : memref<16xi32, #tpu.memory_space<vmem>> -> memref<6xi32, #tpu.memory_space<vmem>>
      tpu.enqueue_dma source(%arg2 : memref<6xi32, #tpu.memory_space<hbm>>) target(%dma_start3A_289 : memref<6xi32, #tpu.memory_space<vmem>>) target_semaphore(%run_scoped3A : memref<!tpu.dma_semaphore, #tpu.memory_space<semaphore_mem>>)
      %dma_wait3A_290 = arith.constant 0 : i32
      %dma_wait3A_291 = tpu.memref_slice %arg10[%dma_wait3A_290] : memref<16xi32, #tpu.memory_space<vmem>> -> memref<6xi32, #tpu.memory_space<vmem>>
      %dma_wait3A_292 = arith.constant 0 : i32
      %dma_wait3A_293 = tpu.memref_slice %arg10[%dma_wait3A_292] : memref<16xi32, #tpu.memory_space<vmem>> -> memref<6xi32, #tpu.memory_space<vmem>>
      tpu.wait_dma2 semaphore(%run_scoped3A : memref<!tpu.dma_semaphore, #tpu.memory_space<semaphore_mem>>) src(%arg2 : memref<6xi32, #tpu.memory_space<hbm>>) dst(%dma_wait3A_293 : memref<6xi32, #tpu.memory_space<vmem>>)
      tpu.yield
    }) : () -> ()
    %get3A = arith.constant 0 : index
    %get3A_17 = tpu.vector_load %arg10[%get3A] {strides = array<i32>} : memref<16xi32, #tpu.memory_space<vmem>>, vector<16xi32>,
    %lt3A = arith.constant 6 : i32
    %lt3A_18 = vector.broadcast %lt3A : i32 to vector<16xi32>
    %lt3A_19 = arith.cmpi slt, %iota3A, %lt3A_18 : vector<16xi32>
    %mul3A_20 = arith.constant 40000 : i32
    %mul3A_21 = vector.broadcast %mul3A_20 : i32 to vector<16xi32>
    %mul3A_22 = arith.muli %iota3A, %mul3A_21 : vector<16xi32>
    %jit3A = arith.constant 0 : i32
    %broadcast_in_dim3A_23 = vector.broadcast %jit3A : i32 to vector<16xi32>
    %select_n3A = arith.select %lt3A_19, %mul3A_22, %broadcast_in_dim3A_23 : vector<16xi1>, vector<16xi32>
    %add3A_24 = arith.addi %get3A_17, %select_n3A : vector<16xi32>
    %swap3A_25 = arith.constant 0 : index
    %swap3A_26 = tpu.vector_load %arg10[%swap3A_25] {strides = array<i32>} : memref<16xi32, #tpu.memory_space<vmem>>, vector<16xi32>,
    tpu.vector_store %arg10[%swap3A_25], %add3A_24 {strides = array<i32>} : memref<16xi32, #tpu.memory_space<vmem>>, vector<16xi32>,
    %dma_start3A_27 = arith.constant 0 : i32
    %dma_start3A_28 = tpu.memref_slice %arg4[%dma_start3A_27] : memref<1042432xf32, #tpu.memory_space<hbm>> -> memref<1042432xf32, #tpu.memory_space<hbm>>
    tpu.enqueue_indirect_dma source(%dma_start3A_28 : memref<1042432xf32, #tpu.memory_space<hbm>>) target(%arg11 : memref<16xf32, #tpu.memory_space<vmem>>) offsets(%arg10 : memref<16xi32, #tpu.memory_space<vmem>>) semaphore(%arg15 : memref<!tpu.dma_semaphore, #tpu.memory_space<semaphore_mem>>)
    %broadcast_in_dim3A_29 = arith.constant 0.000000e+00 : f32
    %broadcast_in_dim3A_30 = vector.broadcast %broadcast_in_dim3A_29 : f32 to vector<16xf32>
    %swap3A_31 = arith.constant 0 : index
    %swap3A_32 = tpu.vector_load %arg9[%swap3A_31] {strides = array<i32>} : memref<512xf32, #tpu.memory_space<vmem>>, vector<16xf32>,
    tpu.vector_store %arg9[%swap3A_31], %broadcast_in_dim3A_30 {strides = array<i32>} : memref<512xf32, #tpu.memory_space<vmem>>, vector<16xf32>,
    %dma_start3A_33 = arith.constant 0 : i32
    %dma_start3A_34 = tpu.memref_slice %arg9[%dma_start3A_33] : memref<512xf32, #tpu.memory_space<vmem>> -> memref<1xf32, #tpu.memory_space<vmem>>
    %dma_start3A_35 = arith.constant 0 : i32
    %dma_start3A_36 = tpu.memref_slice %arg9[%dma_start3A_35] : memref<512xf32, #tpu.memory_space<vmem>> -> memref<1xf32, #tpu.memory_space<vmem>>
    tpu.enqueue_dma source(%arg5 : memref<1xf32, #tpu.memory_space<hbm>>) target(%dma_start3A_36 : memref<1xf32, #tpu.memory_space<vmem>>) target_semaphore(%arg17 : memref<!tpu.dma_semaphore, #tpu.memory_space<semaphore_mem>>)
    "tpu.trace_start"() <{level = 10 : i32, message = "scalar"}> : () -> ()
    %dma_wait3A = arith.constant 0 : i32
    %dma_wait3A_37 = tpu.memref_slice %arg4[%dma_wait3A] : memref<1042432xf32, #tpu.memory_space<hbm>> -> memref<1042432xf32, #tpu.memory_space<hbm>>
    tpu.wait_indirect_dma semaphore(%arg15 : memref<!tpu.dma_semaphore, #tpu.memory_space<semaphore_mem>>) src(%dma_wait3A_37 : memref<1042432xf32, #tpu.memory_space<hbm>>) dst(%arg11 : memref<16xf32, #tpu.memory_space<vmem>>)
    %dma_wait3A_38 = arith.constant 0 : i32
    %dma_wait3A_39 = tpu.memref_slice %arg9[%dma_wait3A_38] : memref<512xf32, #tpu.memory_space<vmem>> -> memref<1xf32, #tpu.memory_space<vmem>>
    %dma_wait3A_40 = arith.constant 0 : i32
    %dma_wait3A_41 = tpu.memref_slice %arg9[%dma_wait3A_40] : memref<512xf32, #tpu.memory_space<vmem>> -> memref<1xf32, #tpu.memory_space<vmem>>
    tpu.wait_dma2 semaphore(%arg17 : memref<!tpu.dma_semaphore, #tpu.memory_space<semaphore_mem>>) src(%arg5 : memref<1xf32, #tpu.memory_space<hbm>>) dst(%dma_wait3A_41 : memref<1xf32, #tpu.memory_space<vmem>>)
    %lt3A_42 = arith.constant 6 : i32
    %lt3A_43 = vector.broadcast %lt3A_42 : i32 to vector<16xi32>
    %lt3A_44 = arith.cmpi slt, %iota3A, %lt3A_43 : vector<16xi32>
    %get3A_45 = arith.constant 0 : index
    %get3A_46 = tpu.vector_load %arg11[%get3A_45] {strides = array<i32>} : memref<16xf32, #tpu.memory_space<vmem>>, vector<16xf32>,
    %jit3A_47 = arith.constant 0.000000e+00 : f32
    %broadcast_in_dim3A_48 = vector.broadcast %jit3A_47 : f32 to vector<16xf32>
    %select_n3A_49 = arith.select %lt3A_44, %get3A_46, %broadcast_in_dim3A_48 : vector<16xi1>, vector<16xf32>
    %get3A_50 = arith.constant 0 : index
    %get3A_51 = tpu.vector_load %arg9[%get3A_50] {strides = array<i32>} : memref<512xf32, #tpu.memory_space<vmem>>, vector<16xf32>,
    %add3A_52 = arith.addf %select_n3A_49, %get3A_51 : vector<16xf32>
    %xor3A = arith.constant 1 : i32
    %xor3A_53 = vector.broadcast %xor3A : i32 to vector<16xi32>
    %xor3A_54 = arith.xori %iota3A, %xor3A_53 : vector<16xi32>
    %lt3A_55 = arith.constant 0 : i32
    %lt3A_56 = vector.broadcast %lt3A_55 : i32 to vector<16xi32>
    %lt3A_57 = arith.cmpi slt, %xor3A_54, %lt3A_56 : vector<16xi32>
    %add3A_58 = arith.constant 16 : i32
    %add3A_59 = vector.broadcast %add3A_58 : i32 to vector<16xi32>
    %add3A_60 = arith.addi %xor3A_54, %add3A_59 : vector<16xi32>
    %select_n3A_61 = arith.select %lt3A_57, %add3A_60, %xor3A_54 : vector<16xi1>, vector<16xi32>
    %broadcast_in_dim3A_62 = vector.shape_cast %select_n3A_61 : vector<16xi32> to vector<16x1xi32>
    %gather3A = vector.shape_cast %broadcast_in_dim3A_62 : vector<16x1xi32> to vector<16xi32>
    %gather3A_63 = tpu.dynamic_gather %add3A_52[%gather3A] in [0] : vector<16xf32>, vector<16xi32> -> vector<16xf32>
    %add3A_64 = arith.addf %add3A_52, %gather3A_63 : vector<16xf32>
    %xor3A_65 = arith.constant 2 : i32
    %xor3A_66 = vector.broadcast %xor3A_65 : i32 to vector<16xi32>
    %xor3A_67 = arith.xori %iota3A, %xor3A_66 : vector<16xi32>
    %lt3A_68 = arith.constant 0 : i32
    %lt3A_69 = vector.broadcast %lt3A_68 : i32 to vector<16xi32>
    %lt3A_70 = arith.cmpi slt, %xor3A_67, %lt3A_69 : vector<16xi32>
    %add3A_71 = arith.constant 16 : i32
    %add3A_72 = vector.broadcast %add3A_71 : i32 to vector<16xi32>
    %add3A_73 = arith.addi %xor3A_67, %add3A_72 : vector<16xi32>
    %select_n3A_74 = arith.select %lt3A_70, %add3A_73, %xor3A_67 : vector<16xi1>, vector<16xi32>
    %broadcast_in_dim3A_75 = vector.shape_cast %select_n3A_74 : vector<16xi32> to vector<16x1xi32>
    %gather3A_76 = vector.shape_cast %broadcast_in_dim3A_75 : vector<16x1xi32> to vector<16xi32>
    %gather3A_77 = tpu.dynamic_gather %add3A_64[%gather3A_76] in [0] : vector<16xf32>, vector<16xi32> -> vector<16xf32>
    %add3A_78 = arith.addf %add3A_64, %gather3A_77 : vector<16xf32>
    %xor3A_79 = arith.constant 4 : i32
    %xor3A_80 = vector.broadcast %xor3A_79 : i32 to vector<16xi32>
    %xor3A_81 = arith.xori %iota3A, %xor3A_80 : vector<16xi32>
    %lt3A_82 = arith.constant 0 : i32
    %lt3A_83 = vector.broadcast %lt3A_82 : i32 to vector<16xi32>
    %lt3A_84 = arith.cmpi slt, %xor3A_81, %lt3A_83 : vector<16xi32>
    %add3A_85 = arith.constant 16 : i32
    %add3A_86 = vector.broadcast %add3A_85 : i32 to vector<16xi32>
    %add3A_87 = arith.addi %xor3A_81, %add3A_86 : vector<16xi32>
    %select_n3A_88 = arith.select %lt3A_84, %add3A_87, %xor3A_81 : vector<16xi1>, vector<16xi32>
    %broadcast_in_dim3A_89 = vector.shape_cast %select_n3A_88 : vector<16xi32> to vector<16x1xi32>
    %gather3A_90 = vector.shape_cast %broadcast_in_dim3A_89 : vector<16x1xi32> to vector<16xi32>
    %gather3A_91 = tpu.dynamic_gather %add3A_78[%gather3A_90] in [0] : vector<16xf32>, vector<16xi32> -> vector<16xf32>
    %add3A_92 = arith.addf %add3A_78, %gather3A_91 : vector<16xf32>
    %xor3A_93 = arith.constant 8 : i32
    %xor3A_94 = vector.broadcast %xor3A_93 : i32 to vector<16xi32>
    %xor3A_95 = arith.xori %iota3A, %xor3A_94 : vector<16xi32>
    %lt3A_96 = arith.constant 0 : i32
    %lt3A_97 = vector.broadcast %lt3A_96 : i32 to vector<16xi32>
    %lt3A_98 = arith.cmpi slt, %xor3A_95, %lt3A_97 : vector<16xi32>
    %add3A_99 = arith.constant 16 : i32
    %add3A_100 = vector.broadcast %add3A_99 : i32 to vector<16xi32>
    %add3A_101 = arith.addi %xor3A_95, %add3A_100 : vector<16xi32>
    %select_n3A_102 = arith.select %lt3A_98, %add3A_101, %xor3A_95 : vector<16xi1>, vector<16xi32>
    %broadcast_in_dim3A_103 = vector.shape_cast %select_n3A_102 : vector<16xi32> to vector<16x1xi32>
    %gather3A_104 = vector.shape_cast %broadcast_in_dim3A_103 : vector<16x1xi32> to vector<16xi32>
    %gather3A_105 = tpu.dynamic_gather %add3A_92[%gather3A_104] in [0] : vector<16xf32>, vector<16xi32> -> vector<16xf32>
    %add3A_106 = arith.addf %add3A_92, %gather3A_105 : vector<16xf32>
    %dma_wait3A_107 = arith.constant 0 : i32
    "tpu.trace_stop"() : () -> ()
    "tpu.trace_start"() <{level = 10 : i32, message = "tbl_wait"}> : () -> ()
    %dma_wait3A_108 = arith.constant 0 : i32
    %dma_wait3A_109 = tpu.memref_slice %arg3[%dma_wait3A_107, %dma_wait3A_108] : memref<20x16384xi32, #tpu.memory_space<hbm>> -> memref<1x10240xi32, #tpu.memory_space<hbm>>
    %dma_wait3A_110 = tpu.memref_squeeze %dma_wait3A_109 : memref<1x10240xi32, #tpu.memory_space<hbm>> -> memref<10240xi32, #tpu.memory_space<hbm>>
    %dma_wait3A_111 = arith.constant 0 : i32
    %dma_wait3A_112 = tpu.memref_slice %arg3[%dma_wait3A_107, %dma_wait3A_111] : memref<20x16384xi32, #tpu.memory_space<hbm>> -> memref<1x10240xi32, #tpu.memory_space<hbm>>
    %dma_wait3A_113 = tpu.memref_squeeze %dma_wait3A_112 : memref<1x10240xi32, #tpu.memory_space<hbm>> -> memref<10240xi32, #tpu.memory_space<hbm>>
    tpu.wait_dma2 semaphore(%arg16 : memref<!tpu.dma_semaphore, #tpu.memory_space<semaphore_mem>>) src(%dma_wait3A_113 : memref<10240xi32, #tpu.memory_space<hbm>>) dst(%arg7 : memref<10240xi32, #tpu.memory_space<vmem>>)
    %dma_wait3A_114 = tpu.memref_slice %arg12[%mul3A_13] : memref<802816xf32, #tpu.memory_space<vmem_shared>> -> memref<50176xf32, #tpu.memory_space<vmem_shared>>
    %dma_wait3A_115 = tpu.memref_slice %arg4[%add3A_11] : memref<1042432xf32, #tpu.memory_space<hbm>> -> memref<50176xf32, #tpu.memory_space<hbm>>
    tpu.wait_dma2 semaphore(%arg14 : memref<!tpu.dma_semaphore, #tpu.memory_space<semaphore_mem>>) src(%dma_wait3A_115 : memref<50176xf32, #tpu.memory_space<hbm>>) dst(%dma_wait3A_114 : memref<50176xf32, #tpu.memory_space<vmem_shared>>)
    %barrier3A = arith.constant 0 : index
    tpu.barrier barrier_id(%barrier3A)
    "tpu.trace_stop"() : () -> ()
    "tpu.trace_start"() <{level = 10 : i32, message = "fire"}> : () -> ()
    %dma_start3A_116 = arith.constant 0 : i32
    %dma_start3A_117 = tpu.memref_slice %arg8[%dma_start3A_116] : memref<10240xf32, #tpu.memory_space<vmem>> -> memref<512xf32, #tpu.memory_space<vmem>>
    %dma_start3A_118 = arith.constant 0 : i32
    %dma_start3A_119 = tpu.memref_slice %arg7[%dma_start3A_118] : memref<10240xi32, #tpu.memory_space<vmem>> -> memref<512xi32, #tpu.memory_space<vmem>>
    %dma_start3A_120 = arith.constant 384 : i32
    %dma_start3A_121 = tpu.memref_slice %arg12[%dma_start3A_120] : memref<802816xf32, #tpu.memory_space<vmem_shared>> -> memref<40000xf32, #tpu.memory_space<vmem_shared>>
    %dma_start3A_122 = arith.constant 0 : i32
    %dma_start3A_123 = tpu.memref_slice %dma_start3A_121[%dma_start3A_122] : memref<40000xf32, #tpu.memory_space<vmem_shared>> -> memref<40000xf32, #tpu.memory_space<vmem_shared>>
    tpu.enqueue_indirect_dma source(%dma_start3A_123 : memref<40000xf32, #tpu.memory_space<vmem_shared>>) target(%dma_start3A_117 : memref<512xf32, #tpu.memory_space<vmem>>) offsets(%dma_start3A_119 : memref<512xi32, #tpu.memory_space<vmem>>) semaphore(%arg13 : memref<!tpu.dma_semaphore, #tpu.memory_space<semaphore_mem>>)
    %dma_start3A_124 = arith.constant 512 : i32
    %dma_start3A_125 = tpu.memref_slice %arg8[%dma_start3A_124] : memref<10240xf32, #tpu.memory_space<vmem>> -> memref<512xf32, #tpu.memory_space<vmem>>
    %dma_start3A_126 = arith.constant 512 : i32
    %dma_start3A_127 = tpu.memref_slice %arg7[%dma_start3A_126] : memref<10240xi32, #tpu.memory_space<vmem>> -> memref<512xi32, #tpu.memory_space<vmem>>
    %dma_start3A_128 = arith.constant 40384 : i32
    %dma_start3A_129 = tpu.memref_slice %arg12[%dma_start3A_128] : memref<802816xf32, #tpu.memory_space<vmem_shared>> -> memref<40000xf32, #tpu.memory_space<vmem_shared>>
    %dma_start3A_130 = arith.constant 0 : i32
    %dma_start3A_131 = tpu.memref_slice %dma_start3A_129[%dma_start3A_130] : memref<40000xf32, #tpu.memory_space<vmem_shared>> -> memref<40000xf32, #tpu.memory_space<vmem_shared>>
    tpu.enqueue_indirect_dma source(%dma_start3A_131 : memref<40000xf32, #tpu.memory_space<vmem_shared>>) target(%dma_start3A_125 : memref<512xf32, #tpu.memory_space<vmem>>) offsets(%dma_start3A_127 : memref<512xi32, #tpu.memory_space<vmem>>) semaphore(%arg13 : memref<!tpu.dma_semaphore, #tpu.memory_space<semaphore_mem>>)
    %dma_start3A_132 = arith.constant 1024 : i32
    %dma_start3A_133 = tpu.memref_slice %arg8[%dma_start3A_132] : memref<10240xf32, #tpu.memory_space<vmem>> -> memref<512xf32, #tpu.memory_space<vmem>>
    %dma_start3A_134 = arith.constant 1024 : i32
    %dma_start3A_135 = tpu.memref_slice %arg7[%dma_start3A_134] : memref<10240xi32, #tpu.memory_space<vmem>> -> memref<512xi32, #tpu.memory_space<vmem>>
    %dma_start3A_136 = arith.constant 80384 : i32
    %dma_start3A_137 = tpu.memref_slice %arg12[%dma_start3A_136] : memref<802816xf32, #tpu.memory_space<vmem_shared>> -> memref<40000xf32, #tpu.memory_space<vmem_shared>>
    %dma_start3A_138 = arith.constant 0 : i32
    %dma_start3A_139 = tpu.memref_slice %dma_start3A_137[%dma_start3A_138] : memref<40000xf32, #tpu.memory_space<vmem_shared>> -> memref<40000xf32, #tpu.memory_space<vmem_shared>>
    tpu.enqueue_indirect_dma source(%dma_start3A_139 : memref<40000xf32, #tpu.memory_space<vmem_shared>>) target(%dma_start3A_133 : memref<512xf32, #tpu.memory_space<vmem>>) offsets(%dma_start3A_135 : memref<512xi32, #tpu.memory_space<vmem>>) semaphore(%arg13 : memref<!tpu.dma_semaphore, #tpu.memory_space<semaphore_mem>>)
    %dma_start3A_140 = arith.constant 1536 : i32
    %dma_start3A_141 = tpu.memref_slice %arg8[%dma_start3A_140] : memref<10240xf32, #tpu.memory_space<vmem>> -> memref<512xf32, #tpu.memory_space<vmem>>
    %dma_start3A_142 = arith.constant 1536 : i32
    %dma_start3A_143 = tpu.memref_slice %arg7[%dma_start3A_142] : memref<10240xi32, #tpu.memory_space<vmem>> -> memref<512xi32, #tpu.memory_space<vmem>>
    %dma_start3A_144 = arith.constant 120384 : i32
    %dma_start3A_145 = tpu.memref_slice %arg12[%dma_start3A_144] : memref<802816xf32, #tpu.memory_space<vmem_shared>> -> memref<40000xf32, #tpu.memory_space<vmem_shared>>
    %dma_start3A_146 = arith.constant 0 : i32
    %dma_start3A_147 = tpu.memref_slice %dma_start3A_145[%dma_start3A_146] : memref<40000xf32, #tpu.memory_space<vmem_shared>> -> memref<40000xf32, #tpu.memory_space<vmem_shared>>
    tpu.enqueue_indirect_dma source(%dma_start3A_147 : memref<40000xf32, #tpu.memory_space<vmem_shared>>) target(%dma_start3A_141 : memref<512xf32, #tpu.memory_space<vmem>>) offsets(%dma_start3A_143 : memref<512xi32, #tpu.memory_space<vmem>>) semaphore(%arg13 : memref<!tpu.dma_semaphore, #tpu.memory_space<semaphore_mem>>)
    %dma_start3A_148 = arith.constant 2048 : i32
    %dma_start3A_149 = tpu.memref_slice %arg8[%dma_start3A_148] : memref<10240xf32, #tpu.memory_space<vmem>> -> memref<512xf32, #tpu.memory_space<vmem>>
    %dma_start3A_150 = arith.constant 2048 : i32
    %dma_start3A_151 = tpu.memref_slice %arg7[%dma_start3A_150] : memref<10240xi32, #tpu.memory_space<vmem>> -> memref<512xi32, #tpu.memory_space<vmem>>
    %dma_start3A_152 = arith.constant 160384 : i32
    %dma_start3A_153 = tpu.memref_slice %arg12[%dma_start3A_152] : memref<802816xf32, #tpu.memory_space<vmem_shared>> -> memref<40000xf32, #tpu.memory_space<vmem_shared>>
    %dma_start3A_154 = arith.constant 0 : i32
    %dma_start3A_155 = tpu.memref_slice %dma_start3A_153[%dma_start3A_154] : memref<40000xf32, #tpu.memory_space<vmem_shared>> -> memref<40000xf32, #tpu.memory_space<vmem_shared>>
    tpu.enqueue_indirect_dma source(%dma_start3A_155 : memref<40000xf32, #tpu.memory_space<vmem_shared>>) target(%dma_start3A_149 : memref<512xf32, #tpu.memory_space<vmem>>) offsets(%dma_start3A_151 : memref<512xi32, #tpu.memory_space<vmem>>) semaphore(%arg13 : memref<!tpu.dma_semaphore, #tpu.memory_space<semaphore_mem>>)
    %dma_start3A_156 = arith.constant 2560 : i32
    %dma_start3A_157 = tpu.memref_slice %arg8[%dma_start3A_156] : memref<10240xf32, #tpu.memory_space<vmem>> -> memref<512xf32, #tpu.memory_space<vmem>>
    %dma_start3A_158 = arith.constant 2560 : i32
    %dma_start3A_159 = tpu.memref_slice %arg7[%dma_start3A_158] : memref<10240xi32, #tpu.memory_space<vmem>> -> memref<512xi32, #tpu.memory_space<vmem>>
    %dma_start3A_160 = arith.constant 200384 : i32
    %dma_start3A_161 = tpu.memref_slice %arg12[%dma_start3A_160] : memref<802816xf32, #tpu.memory_space<vmem_shared>> -> memref<40000xf32, #tpu.memory_space<vmem_shared>>
    %dma_start3A_162 = arith.constant 0 : i32
    %dma_start3A_163 = tpu.memref_slice %dma_start3A_161[%dma_start3A_162] : memref<40000xf32, #tpu.memory_space<vmem_shared>> -> memref<40000xf32, #tpu.memory_space<vmem_shared>>
    tpu.enqueue_indirect_dma source(%dma_start3A_163 : memref<40000xf32, #tpu.memory_space<vmem_shared>>) target(%dma_start3A_157 : memref<512xf32, #tpu.memory_space<vmem>>) offsets(%dma_start3A_159 : memref<512xi32, #tpu.memory_space<vmem>>) semaphore(%arg13 : memref<!tpu.dma_semaphore, #tpu.memory_space<semaphore_mem>>)
    %dma_start3A_164 = arith.constant 3072 : i32
    %dma_start3A_165 = tpu.memref_slice %arg8[%dma_start3A_164] : memref<10240xf32, #tpu.memory_space<vmem>> -> memref<512xf32, #tpu.memory_space<vmem>>
    %dma_start3A_166 = arith.constant 3072 : i32
    %dma_start3A_167 = tpu.memref_slice %arg7[%dma_start3A_166] : memref<10240xi32, #tpu.memory_space<vmem>> -> memref<512xi32, #tpu.memory_space<vmem>>
    %dma_start3A_168 = arith.constant 240384 : i32
    %dma_start3A_169 = tpu.memref_slice %arg12[%dma_start3A_168] : memref<802816xf32, #tpu.memory_space<vmem_shared>> -> memref<40000xf32, #tpu.memory_space<vmem_shared>>
    %dma_start3A_170 = arith.constant 0 : i32
    %dma_start3A_171 = tpu.memref_slice %dma_start3A_169[%dma_start3A_170] : memref<40000xf32, #tpu.memory_space<vmem_shared>> -> memref<40000xf32, #tpu.memory_space<vmem_shared>>
    tpu.enqueue_indirect_dma source(%dma_start3A_171 : memref<40000xf32, #tpu.memory_space<vmem_shared>>) target(%dma_start3A_165 : memref<512xf32, #tpu.memory_space<vmem>>) offsets(%dma_start3A_167 : memref<512xi32, #tpu.memory_space<vmem>>) semaphore(%arg13 : memref<!tpu.dma_semaphore, #tpu.memory_space<semaphore_mem>>)
    %dma_start3A_172 = arith.constant 3584 : i32
    %dma_start3A_173 = tpu.memref_slice %arg8[%dma_start3A_172] : memref<10240xf32, #tpu.memory_space<vmem>> -> memref<512xf32, #tpu.memory_space<vmem>>
    %dma_start3A_174 = arith.constant 3584 : i32
    %dma_start3A_175 = tpu.memref_slice %arg7[%dma_start3A_174] : memref<10240xi32, #tpu.memory_space<vmem>> -> memref<512xi32, #tpu.memory_space<vmem>>
    %dma_start3A_176 = arith.constant 280384 : i32
    %dma_start3A_177 = tpu.memref_slice %arg12[%dma_start3A_176] : memref<802816xf32, #tpu.memory_space<vmem_shared>> -> memref<40000xf32, #tpu.memory_space<vmem_shared>>
    %dma_start3A_178 = arith.constant 0 : i32
    %dma_start3A_179 = tpu.memref_slice %dma_start3A_177[%dma_start3A_178] : memref<40000xf32, #tpu.memory_space<vmem_shared>> -> memref<40000xf32, #tpu.memory_space<vmem_shared>>
    tpu.enqueue_indirect_dma source(%dma_start3A_179 : memref<40000xf32, #tpu.memory_space<vmem_shared>>) target(%dma_start3A_173 : memref<512xf32, #tpu.memory_space<vmem>>) offsets(%dma_start3A_175 : memref<512xi32, #tpu.memory_space<vmem>>) semaphore(%arg13 : memref<!tpu.dma_semaphore, #tpu.memory_space<semaphore_mem>>)
    %dma_start3A_180 = arith.constant 4096 : i32
    %dma_start3A_181 = tpu.memref_slice %arg8[%dma_start3A_180] : memref<10240xf32, #tpu.memory_space<vmem>> -> memref<512xf32, #tpu.memory_space<vmem>>
    %dma_start3A_182 = arith.constant 4096 : i32
    %dma_start3A_183 = tpu.memref_slice %arg7[%dma_start3A_182] : memref<10240xi32, #tpu.memory_space<vmem>> -> memref<512xi32, #tpu.memory_space<vmem>>
    %dma_start3A_184 = arith.constant 320384 : i32
    %dma_start3A_185 = tpu.memref_slice %arg12[%dma_start3A_184] : memref<802816xf32, #tpu.memory_space<vmem_shared>> -> memref<40000xf32, #tpu.memory_space<vmem_shared>>
    %dma_start3A_186 = arith.constant 0 : i32
    %dma_start3A_187 = tpu.memref_slice %dma_start3A_185[%dma_start3A_186] : memref<40000xf32, #tpu.memory_space<vmem_shared>> -> memref<40000xf32, #tpu.memory_space<vmem_shared>>
    tpu.enqueue_indirect_dma source(%dma_start3A_187 : memref<40000xf32, #tpu.memory_space<vmem_shared>>) target(%dma_start3A_181 : memref<512xf32, #tpu.memory_space<vmem>>) offsets(%dma_start3A_183 : memref<512xi32, #tpu.memory_space<vmem>>) semaphore(%arg13 : memref<!tpu.dma_semaphore, #tpu.memory_space<semaphore_mem>>)
    %dma_start3A_188 = arith.constant 4608 : i32
    %dma_start3A_189 = tpu.memref_slice %arg8[%dma_start3A_188] : memref<10240xf32, #tpu.memory_space<vmem>> -> memref<512xf32, #tpu.memory_space<vmem>>
    %dma_start3A_190 = arith.constant 4608 : i32
    %dma_start3A_191 = tpu.memref_slice %arg7[%dma_start3A_190] : memref<10240xi32, #tpu.memory_space<vmem>> -> memref<512xi32, #tpu.memory_space<vmem>>
    %dma_start3A_192 = arith.constant 360384 : i32
    %dma_start3A_193 = tpu.memref_slice %arg12[%dma_start3A_192] : memref<802816xf32, #tpu.memory_space<vmem_shared>> -> memref<40000xf32, #tpu.memory_space<vmem_shared>>
    %dma_start3A_194 = arith.constant 0 : i32
    %dma_start3A_195 = tpu.memref_slice %dma_start3A_193[%dma_start3A_194] : memref<40000xf32, #tpu.memory_space<vmem_shared>> -> memref<40000xf32, #tpu.memory_space<vmem_shared>>
    tpu.enqueue_indirect_dma source(%dma_start3A_195 : memref<40000xf32, #tpu.memory_space<vmem_shared>>) target(%dma_start3A_189 : memref<512xf32, #tpu.memory_space<vmem>>) offsets(%dma_start3A_191 : memref<512xi32, #tpu.memory_space<vmem>>) semaphore(%arg13 : memref<!tpu.dma_semaphore, #tpu.memory_space<semaphore_mem>>)
    %dma_start3A_196 = arith.constant 5120 : i32
    %dma_start3A_197 = tpu.memref_slice %arg8[%dma_start3A_196] : memref<10240xf32, #tpu.memory_space<vmem>> -> memref<512xf32, #tpu.memory_space<vmem>>
    %dma_start3A_198 = arith.constant 5120 : i32
    %dma_start3A_199 = tpu.memref_slice %arg7[%dma_start3A_198] : memref<10240xi32, #tpu.memory_space<vmem>> -> memref<512xi32, #tpu.memory_space<vmem>>
    %dma_start3A_200 = arith.constant 400384 : i32
    %dma_start3A_201 = tpu.memref_slice %arg12[%dma_start3A_200] : memref<802816xf32, #tpu.memory_space<vmem_shared>> -> memref<40000xf32, #tpu.memory_space<vmem_shared>>
    %dma_start3A_202 = arith.constant 0 : i32
    %dma_start3A_203 = tpu.memref_slice %dma_start3A_201[%dma_start3A_202] : memref<40000xf32, #tpu.memory_space<vmem_shared>> -> memref<40000xf32, #tpu.memory_space<vmem_shared>>
    tpu.enqueue_indirect_dma source(%dma_start3A_203 : memref<40000xf32, #tpu.memory_space<vmem_shared>>) target(%dma_start3A_197 : memref<512xf32, #tpu.memory_space<vmem>>) offsets(%dma_start3A_199 : memref<512xi32, #tpu.memory_space<vmem>>) semaphore(%arg13 : memref<!tpu.dma_semaphore, #tpu.memory_space<semaphore_mem>>)
    %dma_start3A_204 = arith.constant 5632 : i32
    %dma_start3A_205 = tpu.memref_slice %arg8[%dma_start3A_204] : memref<10240xf32, #tpu.memory_space<vmem>> -> memref<512xf32, #tpu.memory_space<vmem>>
    %dma_start3A_206 = arith.constant 5632 : i32
    %dma_start3A_207 = tpu.memref_slice %arg7[%dma_start3A_206] : memref<10240xi32, #tpu.memory_space<vmem>> -> memref<512xi32, #tpu.memory_space<vmem>>
    %dma_start3A_208 = arith.constant 440384 : i32
    %dma_start3A_209 = tpu.memref_slice %arg12[%dma_start3A_208] : memref<802816xf32, #tpu.memory_space<vmem_shared>> -> memref<40000xf32, #tpu.memory_space<vmem_shared>>
    %dma_start3A_210 = arith.constant 0 : i32
    %dma_start3A_211 = tpu.memref_slice %dma_start3A_209[%dma_start3A_210] : memref<40000xf32, #tpu.memory_space<vmem_shared>> -> memref<40000xf32, #tpu.memory_space<vmem_shared>>
    tpu.enqueue_indirect_dma source(%dma_start3A_211 : memref<40000xf32, #tpu.memory_space<vmem_shared>>) target(%dma_start3A_205 : memref<512xf32, #tpu.memory_space<vmem>>) offsets(%dma_start3A_207 : memref<512xi32, #tpu.memory_space<vmem>>) semaphore(%arg13 : memref<!tpu.dma_semaphore, #tpu.memory_space<semaphore_mem>>)
    %dma_start3A_212 = arith.constant 6144 : i32
    %dma_start3A_213 = tpu.memref_slice %arg8[%dma_start3A_212] : memref<10240xf32, #tpu.memory_space<vmem>> -> memref<512xf32, #tpu.memory_space<vmem>>
    %dma_start3A_214 = arith.constant 6144 : i32
    %dma_start3A_215 = tpu.memref_slice %arg7[%dma_start3A_214] : memref<10240xi32, #tpu.memory_space<vmem>> -> memref<512xi32, #tpu.memory_space<vmem>>
    %dma_start3A_216 = arith.constant 480384 : i32
    %dma_start3A_217 = tpu.memref_slice %arg12[%dma_start3A_216] : memref<802816xf32, #tpu.memory_space<vmem_shared>> -> memref<40000xf32, #tpu.memory_space<vmem_shared>>
    %dma_start3A_218 = arith.constant 0 : i32
    %dma_start3A_219 = tpu.memref_slice %dma_start3A_217[%dma_start3A_218] : memref<40000xf32, #tpu.memory_space<vmem_shared>> -> memref<40000xf32, #tpu.memory_space<vmem_shared>>
    tpu.enqueue_indirect_dma source(%dma_start3A_219 : memref<40000xf32, #tpu.memory_space<vmem_shared>>) target(%dma_start3A_213 : memref<512xf32, #tpu.memory_space<vmem>>) offsets(%dma_start3A_215 : memref<512xi32, #tpu.memory_space<vmem>>) semaphore(%arg13 : memref<!tpu.dma_semaphore, #tpu.memory_space<semaphore_mem>>)
    %dma_start3A_220 = arith.constant 6656 : i32
    %dma_start3A_221 = tpu.memref_slice %arg8[%dma_start3A_220] : memref<10240xf32, #tpu.memory_space<vmem>> -> memref<512xf32, #tpu.memory_space<vmem>>
    %dma_start3A_222 = arith.constant 6656 : i32
    %dma_start3A_223 = tpu.memref_slice %arg7[%dma_start3A_222] : memref<10240xi32, #tpu.memory_space<vmem>> -> memref<512xi32, #tpu.memory_space<vmem>>
    %dma_start3A_224 = arith.constant 520384 : i32
    %dma_start3A_225 = tpu.memref_slice %arg12[%dma_start3A_224] : memref<802816xf32, #tpu.memory_space<vmem_shared>> -> memref<40000xf32, #tpu.memory_space<vmem_shared>>
    %dma_start3A_226 = arith.constant 0 : i32
    %dma_start3A_227 = tpu.memref_slice %dma_start3A_225[%dma_start3A_226] : memref<40000xf32, #tpu.memory_space<vmem_shared>> -> memref<40000xf32, #tpu.memory_space<vmem_shared>>
    tpu.enqueue_indirect_dma source(%dma_start3A_227 : memref<40000xf32, #tpu.memory_space<vmem_shared>>) target(%dma_start3A_221 : memref<512xf32, #tpu.memory_space<vmem>>) offsets(%dma_start3A_223 : memref<512xi32, #tpu.memory_space<vmem>>) semaphore(%arg13 : memref<!tpu.dma_semaphore, #tpu.memory_space<semaphore_mem>>)
    %dma_start3A_228 = arith.constant 7168 : i32
    %dma_start3A_229 = tpu.memref_slice %arg8[%dma_start3A_228] : memref<10240xf32, #tpu.memory_space<vmem>> -> memref<512xf32, #tpu.memory_space<vmem>>
    %dma_start3A_230 = arith.constant 7168 : i32
    %dma_start3A_231 = tpu.memref_slice %arg7[%dma_start3A_230] : memref<10240xi32, #tpu.memory_space<vmem>> -> memref<512xi32, #tpu.memory_space<vmem>>
    %dma_start3A_232 = arith.constant 560384 : i32
    %dma_start3A_233 = tpu.memref_slice %arg12[%dma_start3A_232] : memref<802816xf32, #tpu.memory_space<vmem_shared>> -> memref<40000xf32, #tpu.memory_space<vmem_shared>>
    %dma_start3A_234 = arith.constant 0 : i32
    %dma_start3A_235 = tpu.memref_slice %dma_start3A_233[%dma_start3A_234] : memref<40000xf32, #tpu.memory_space<vmem_shared>> -> memref<40000xf32, #tpu.memory_space<vmem_shared>>
    tpu.enqueue_indirect_dma source(%dma_start3A_235 : memref<40000xf32, #tpu.memory_space<vmem_shared>>) target(%dma_start3A_229 : memref<512xf32, #tpu.memory_space<vmem>>) offsets(%dma_start3A_231 : memref<512xi32, #tpu.memory_space<vmem>>) semaphore(%arg13 : memref<!tpu.dma_semaphore, #tpu.memory_space<semaphore_mem>>)
    %dma_start3A_236 = arith.constant 7680 : i32
    %dma_start3A_237 = tpu.memref_slice %arg8[%dma_start3A_236] : memref<10240xf32, #tpu.memory_space<vmem>> -> memref<512xf32, #tpu.memory_space<vmem>>
    %dma_start3A_238 = arith.constant 7680 : i32
    %dma_start3A_239 = tpu.memref_slice %arg7[%dma_start3A_238] : memref<10240xi32, #tpu.memory_space<vmem>> -> memref<512xi32, #tpu.memory_space<vmem>>
    %dma_start3A_240 = arith.constant 600384 : i32
    %dma_start3A_241 = tpu.memref_slice %arg12[%dma_start3A_240] : memref<802816xf32, #tpu.memory_space<vmem_shared>> -> memref<40000xf32, #tpu.memory_space<vmem_shared>>
    %dma_start3A_242 = arith.constant 0 : i32
    %dma_start3A_243 = tpu.memref_slice %dma_start3A_241[%dma_start3A_242] : memref<40000xf32, #tpu.memory_space<vmem_shared>> -> memref<40000xf32, #tpu.memory_space<vmem_shared>>
    tpu.enqueue_indirect_dma source(%dma_start3A_243 : memref<40000xf32, #tpu.memory_space<vmem_shared>>) target(%dma_start3A_237 : memref<512xf32, #tpu.memory_space<vmem>>) offsets(%dma_start3A_239 : memref<512xi32, #tpu.memory_space<vmem>>) semaphore(%arg13 : memref<!tpu.dma_semaphore, #tpu.memory_space<semaphore_mem>>)
    %dma_start3A_244 = arith.constant 8192 : i32
    %dma_start3A_245 = tpu.memref_slice %arg8[%dma_start3A_244] : memref<10240xf32, #tpu.memory_space<vmem>> -> memref<512xf32, #tpu.memory_space<vmem>>
    %dma_start3A_246 = arith.constant 8192 : i32
    %dma_start3A_247 = tpu.memref_slice %arg7[%dma_start3A_246] : memref<10240xi32, #tpu.memory_space<vmem>> -> memref<512xi32, #tpu.memory_space<vmem>>
    %dma_start3A_248 = arith.constant 640384 : i32
    %dma_start3A_249 = tpu.memref_slice %arg12[%dma_start3A_248] : memref<802816xf32, #tpu.memory_space<vmem_shared>> -> memref<40000xf32, #tpu.memory_space<vmem_shared>>
    %dma_start3A_250 = arith.constant 0 : i32
    %dma_start3A_251 = tpu.memref_slice %dma_start3A_249[%dma_start3A_250] : memref<40000xf32, #tpu.memory_space<vmem_shared>> -> memref<40000xf32, #tpu.memory_space<vmem_shared>>
    tpu.enqueue_indirect_dma source(%dma_start3A_251 : memref<40000xf32, #tpu.memory_space<vmem_shared>>) target(%dma_start3A_245 : memref<512xf32, #tpu.memory_space<vmem>>) offsets(%dma_start3A_247 : memref<512xi32, #tpu.memory_space<vmem>>) semaphore(%arg13 : memref<!tpu.dma_semaphore, #tpu.memory_space<semaphore_mem>>)
    %dma_start3A_252 = arith.constant 8704 : i32
    %dma_start3A_253 = tpu.memref_slice %arg8[%dma_start3A_252] : memref<10240xf32, #tpu.memory_space<vmem>> -> memref<512xf32, #tpu.memory_space<vmem>>
    %dma_start3A_254 = arith.constant 8704 : i32
    %dma_start3A_255 = tpu.memref_slice %arg7[%dma_start3A_254] : memref<10240xi32, #tpu.memory_space<vmem>> -> memref<512xi32, #tpu.memory_space<vmem>>
    %dma_start3A_256 = arith.constant 680384 : i32
    %dma_start3A_257 = tpu.memref_slice %arg12[%dma_start3A_256] : memref<802816xf32, #tpu.memory_space<vmem_shared>> -> memref<40000xf32, #tpu.memory_space<vmem_shared>>
    %dma_start3A_258 = arith.constant 0 : i32
    %dma_start3A_259 = tpu.memref_slice %dma_start3A_257[%dma_start3A_258] : memref<40000xf32, #tpu.memory_space<vmem_shared>> -> memref<40000xf32, #tpu.memory_space<vmem_shared>>
    tpu.enqueue_indirect_dma source(%dma_start3A_259 : memref<40000xf32, #tpu.memory_space<vmem_shared>>) target(%dma_start3A_253 : memref<512xf32, #tpu.memory_space<vmem>>) offsets(%dma_start3A_255 : memref<512xi32, #tpu.memory_space<vmem>>) semaphore(%arg13 : memref<!tpu.dma_semaphore, #tpu.memory_space<semaphore_mem>>)
    %dma_start3A_260 = arith.constant 9216 : i32
    %dma_start3A_261 = tpu.memref_slice %arg8[%dma_start3A_260] : memref<10240xf32, #tpu.memory_space<vmem>> -> memref<512xf32, #tpu.memory_space<vmem>>
    %dma_start3A_262 = arith.constant 9216 : i32
    %dma_start3A_263 = tpu.memref_slice %arg7[%dma_start3A_262] : memref<10240xi32, #tpu.memory_space<vmem>> -> memref<512xi32, #tpu.memory_space<vmem>>
    %dma_start3A_264 = arith.constant 720384 : i32
    %dma_start3A_265 = tpu.memref_slice %arg12[%dma_start3A_264] : memref<802816xf32, #tpu.memory_space<vmem_shared>> -> memref<40000xf32, #tpu.memory_space<vmem_shared>>
    %dma_start3A_266 = arith.constant 0 : i32
    %dma_start3A_267 = tpu.memref_slice %dma_start3A_265[%dma_start3A_266] : memref<40000xf32, #tpu.memory_space<vmem_shared>> -> memref<40000xf32, #tpu.memory_space<vmem_shared>>
    tpu.enqueue_indirect_dma source(%dma_start3A_267 : memref<40000xf32, #tpu.memory_space<vmem_shared>>) target(%dma_start3A_261 : memref<512xf32, #tpu.memory_space<vmem>>) offsets(%dma_start3A_263 : memref<512xi32, #tpu.memory_space<vmem>>) semaphore(%arg13 : memref<!tpu.dma_semaphore, #tpu.memory_space<semaphore_mem>>)
    %dma_start3A_268 = arith.constant 9728 : i32
    %dma_start3A_269 = tpu.memref_slice %arg8[%dma_start3A_268] : memref<10240xf32, #tpu.memory_space<vmem>> -> memref<512xf32, #tpu.memory_space<vmem>>
    %dma_start3A_270 = arith.constant 9728 : i32
    %dma_start3A_271 = tpu.memref_slice %arg7[%dma_start3A_270] : memref<10240xi32, #tpu.memory_space<vmem>> -> memref<512xi32, #tpu.memory_space<vmem>>
    %dma_start3A_272 = arith.constant 760384 : i32
    %dma_start3A_273 = tpu.memref_slice %arg12[%dma_start3A_272] : memref<802816xf32, #tpu.memory_space<vmem_shared>> -> memref<40000xf32, #tpu.memory_space<vmem_shared>>
    %dma_start3A_274 = arith.constant 0 : i32
    %dma_start3A_275 = tpu.memref_slice %dma_start3A_273[%dma_start3A_274] : memref<40000xf32, #tpu.memory_space<vmem_shared>> -> memref<40000xf32, #tpu.memory_space<vmem_shared>>
    tpu.enqueue_indirect_dma source(%dma_start3A_275 : memref<40000xf32, #tpu.memory_space<vmem_shared>>) target(%dma_start3A_269 : memref<512xf32, #tpu.memory_space<vmem>>) offsets(%dma_start3A_271 : memref<512xi32, #tpu.memory_space<vmem>>) semaphore(%arg13 : memref<!tpu.dma_semaphore, #tpu.memory_space<semaphore_mem>>)
    "tpu.trace_stop"() : () -> ()
    "tpu.trace_start"() <{level = 10 : i32, message = "drain"}> : () -> ()
    %dma_wait3A_276 = arith.constant 0 : i32
    %dma_wait3A_277 = tpu.memref_slice %arg4[%dma_wait3A_276] : memref<1042432xf32, #tpu.memory_space<hbm>> -> memref<10240xf32, #tpu.memory_space<hbm>>
    %dma_wait3A_278 = arith.constant 0 : i32
    %dma_wait3A_279 = tpu.memref_slice %arg4[%dma_wait3A_278] : memref<1042432xf32, #tpu.memory_space<hbm>> -> memref<10240xf32, #tpu.memory_space<hbm>>
    tpu.wait_dma2 semaphore(%arg13 : memref<!tpu.dma_semaphore, #tpu.memory_space<semaphore_mem>>) src(%dma_wait3A_279 : memref<10240xf32, #tpu.memory_space<hbm>>) dst(%arg8 : memref<10240xf32, #tpu.memory_space<vmem>>)
    "tpu.trace_stop"() : () -> ()
    "tpu.trace_start"() <{level = 10 : i32, message = "reduce"}> : () -> ()
    %scan3A_280 = arith.constant 0 : i32
    %scan3A_281 = arith.constant 0 : i32
    %scan3A_282 = arith.constant 16 : i32
    %scan3A_283 = arith.addi %scan3A_281, %scan3A_282 : i32
    %scan3A_284 = arith.constant 1 : i32
    scf.for %scan3A_286 = %scan3A_281 to %scan3A_283 step %scan3A_284  : i32 {
      %mul3A_287 = arith.constant 2 : i32
      %mul3A_288 = arith.muli %mul3A_287, %scan3A_286 : i32
      %mul3A_289 = arith.constant 16 : i32
      %mul3A_290 = arith.muli %mul3A_288, %mul3A_289 : i32
      %add3A_291 = arith.constant 0 : i32
      %add3A_292 = arith.addi %add3A_291, %mul3A_290 : i32
      %get3A_293 = arith.index_cast %add3A_292 : i32 to index
      %get3A_294 = tpu.vector_load %arg8[%get3A_293] {strides = array<i32>} : memref<10240xf32, #tpu.memory_space<vmem>>, vector<16xf32>,
      %add3A_295 = arith.addf %add3A_106, %get3A_294 : vector<16xf32>
      %mul3A_296 = arith.constant 2 : i32
      %mul3A_297 = arith.muli %mul3A_296, %scan3A_286 : i32
      %add3A_298 = arith.constant 1 : i32
      %add3A_299 = arith.addi %mul3A_297, %add3A_298 : i32
      %mul3A_300 = arith.constant 16 : i32
      %mul3A_301 = arith.muli %add3A_299, %mul3A_300 : i32
      %add3A_302 = arith.constant 0 : i32
      %add3A_303 = arith.addi %add3A_302, %mul3A_301 : i32
      %get3A_304 = arith.index_cast %add3A_303 : i32 to index
      %get3A_305 = tpu.vector_load %arg8[%get3A_304] {strides = array<i32>} : memref<10240xf32, #tpu.memory_space<vmem>>, vector<16xf32>,
      %add3A_306 = arith.addf %add3A_106, %get3A_305 : vector<16xf32>
      %mul3A_307 = arith.constant 2 : i32
      %mul3A_308 = arith.muli %mul3A_307, %scan3A_286 : i32
      %mul3A_309 = arith.constant 16 : i32
      %mul3A_310 = arith.muli %mul3A_308, %mul3A_309 : i32
      %add3A_311 = arith.constant 512 : i32
      %add3A_312 = arith.addi %add3A_311, %mul3A_310 : i32
      %get3A_313 = arith.index_cast %add3A_312 : i32 to index
      %get3A_314 = tpu.vector_load %arg8[%get3A_313] {strides = array<i32>} : memref<10240xf32, #tpu.memory_space<vmem>>, vector<16xf32>,
      %add3A_315 = arith.addf %add3A_295, %get3A_314 : vector<16xf32>
      %mul3A_316 = arith.constant 2 : i32
      %mul3A_317 = arith.muli %mul3A_316, %scan3A_286 : i32
      %add3A_318 = arith.constant 1 : i32
      %add3A_319 = arith.addi %mul3A_317, %add3A_318 : i32
      %mul3A_320 = arith.constant 16 : i32
      %mul3A_321 = arith.muli %add3A_319, %mul3A_320 : i32
      %add3A_322 = arith.constant 512 : i32
      %add3A_323 = arith.addi %add3A_322, %mul3A_321 : i32
      %get3A_324 = arith.index_cast %add3A_323 : i32 to index
      %get3A_325 = tpu.vector_load %arg8[%get3A_324] {strides = array<i32>} : memref<10240xf32, #tpu.memory_space<vmem>>, vector<16xf32>,
      %add3A_326 = arith.addf %add3A_306, %get3A_325 : vector<16xf32>
      %mul3A_327 = arith.constant 2 : i32
      %mul3A_328 = arith.muli %mul3A_327, %scan3A_286 : i32
      %mul3A_329 = arith.constant 16 : i32
      %mul3A_330 = arith.muli %mul3A_328, %mul3A_329 : i32
      %add3A_331 = arith.constant 1024 : i32
      %add3A_332 = arith.addi %add3A_331, %mul3A_330 : i32
      %get3A_333 = arith.index_cast %add3A_332 : i32 to index
      %get3A_334 = tpu.vector_load %arg8[%get3A_333] {strides = array<i32>} : memref<10240xf32, #tpu.memory_space<vmem>>, vector<16xf32>,
      %add3A_335 = arith.addf %add3A_315, %get3A_334 : vector<16xf32>
      %mul3A_336 = arith.constant 2 : i32
      %mul3A_337 = arith.muli %mul3A_336, %scan3A_286 : i32
      %add3A_338 = arith.constant 1 : i32
      %add3A_339 = arith.addi %mul3A_337, %add3A_338 : i32
      %mul3A_340 = arith.constant 16 : i32
      %mul3A_341 = arith.muli %add3A_339, %mul3A_340 : i32
      %add3A_342 = arith.constant 1024 : i32
      %add3A_343 = arith.addi %add3A_342, %mul3A_341 : i32
      %get3A_344 = arith.index_cast %add3A_343 : i32 to index
      %get3A_345 = tpu.vector_load %arg8[%get3A_344] {strides = array<i32>} : memref<10240xf32, #tpu.memory_space<vmem>>, vector<16xf32>,
      %add3A_346 = arith.addf %add3A_326, %get3A_345 : vector<16xf32>
      %mul3A_347 = arith.constant 2 : i32
      %mul3A_348 = arith.muli %mul3A_347, %scan3A_286 : i32
      %mul3A_349 = arith.constant 16 : i32
      %mul3A_350 = arith.muli %mul3A_348, %mul3A_349 : i32
      %add3A_351 = arith.constant 1536 : i32
      %add3A_352 = arith.addi %add3A_351, %mul3A_350 : i32
      %get3A_353 = arith.index_cast %add3A_352 : i32 to index
      %get3A_354 = tpu.vector_load %arg8[%get3A_353] {strides = array<i32>} : memref<10240xf32, #tpu.memory_space<vmem>>, vector<16xf32>,
      %add3A_355 = arith.addf %add3A_335, %get3A_354 : vector<16xf32>
      %mul3A_356 = arith.constant 2 : i32
      %mul3A_357 = arith.muli %mul3A_356, %scan3A_286 : i32
      %add3A_358 = arith.constant 1 : i32
      %add3A_359 = arith.addi %mul3A_357, %add3A_358 : i32
      %mul3A_360 = arith.constant 16 : i32
      %mul3A_361 = arith.muli %add3A_359, %mul3A_360 : i32
      %add3A_362 = arith.constant 1536 : i32
      %add3A_363 = arith.addi %add3A_362, %mul3A_361 : i32
      %get3A_364 = arith.index_cast %add3A_363 : i32 to index
      %get3A_365 = tpu.vector_load %arg8[%get3A_364] {strides = array<i32>} : memref<10240xf32, #tpu.memory_space<vmem>>, vector<16xf32>,
      %add3A_366 = arith.addf %add3A_346, %get3A_365 : vector<16xf32>
      %mul3A_367 = arith.constant 2 : i32
      %mul3A_368 = arith.muli %mul3A_367, %scan3A_286 : i32
      %mul3A_369 = arith.constant 16 : i32
      %mul3A_370 = arith.muli %mul3A_368, %mul3A_369 : i32
      %add3A_371 = arith.constant 2048 : i32
      %add3A_372 = arith.addi %add3A_371, %mul3A_370 : i32
      %get3A_373 = arith.index_cast %add3A_372 : i32 to index
      %get3A_374 = tpu.vector_load %arg8[%get3A_373] {strides = array<i32>} : memref<10240xf32, #tpu.memory_space<vmem>>, vector<16xf32>,
      %add3A_375 = arith.addf %add3A_355, %get3A_374 : vector<16xf32>
      %mul3A_376 = arith.constant 2 : i32
      %mul3A_377 = arith.muli %mul3A_376, %scan3A_286 : i32
      %add3A_378 = arith.constant 1 : i32
      %add3A_379 = arith.addi %mul3A_377, %add3A_378 : i32
      %mul3A_380 = arith.constant 16 : i32
      %mul3A_381 = arith.muli %add3A_379, %mul3A_380 : i32
      %add3A_382 = arith.constant 2048 : i32
      %add3A_383 = arith.addi %add3A_382, %mul3A_381 : i32
      %get3A_384 = arith.index_cast %add3A_383 : i32 to index
      %get3A_385 = tpu.vector_load %arg8[%get3A_384] {strides = array<i32>} : memref<10240xf32, #tpu.memory_space<vmem>>, vector<16xf32>,
      %add3A_386 = arith.addf %add3A_366, %get3A_385 : vector<16xf32>
      %mul3A_387 = arith.constant 2 : i32
      %mul3A_388 = arith.muli %mul3A_387, %scan3A_286 : i32
      %mul3A_389 = arith.constant 16 : i32
      %mul3A_390 = arith.muli %mul3A_388, %mul3A_389 : i32
      %add3A_391 = arith.constant 2560 : i32
      %add3A_392 = arith.addi %add3A_391, %mul3A_390 : i32
      %get3A_393 = arith.index_cast %add3A_392 : i32 to index
      %get3A_394 = tpu.vector_load %arg8[%get3A_393] {strides = array<i32>} : memref<10240xf32, #tpu.memory_space<vmem>>, vector<16xf32>,
      %add3A_395 = arith.addf %add3A_375, %get3A_394 : vector<16xf32>
      %mul3A_396 = arith.constant 2 : i32
      %mul3A_397 = arith.muli %mul3A_396, %scan3A_286 : i32
      %add3A_398 = arith.constant 1 : i32
      %add3A_399 = arith.addi %mul3A_397, %add3A_398 : i32
      %mul3A_400 = arith.constant 16 : i32
      %mul3A_401 = arith.muli %add3A_399, %mul3A_400 : i32
      %add3A_402 = arith.constant 2560 : i32
      %add3A_403 = arith.addi %add3A_402, %mul3A_401 : i32
      %get3A_404 = arith.index_cast %add3A_403 : i32 to index
      %get3A_405 = tpu.vector_load %arg8[%get3A_404] {strides = array<i32>} : memref<10240xf32, #tpu.memory_space<vmem>>, vector<16xf32>,
      %add3A_406 = arith.addf %add3A_386, %get3A_405 : vector<16xf32>
      %mul3A_407 = arith.constant 2 : i32
      %mul3A_408 = arith.muli %mul3A_407, %scan3A_286 : i32
      %mul3A_409 = arith.constant 16 : i32
      %mul3A_410 = arith.muli %mul3A_408, %mul3A_409 : i32
      %add3A_411 = arith.constant 3072 : i32
      %add3A_412 = arith.addi %add3A_411, %mul3A_410 : i32
      %get3A_413 = arith.index_cast %add3A_412 : i32 to index
      %get3A_414 = tpu.vector_load %arg8[%get3A_413] {strides = array<i32>} : memref<10240xf32, #tpu.memory_space<vmem>>, vector<16xf32>,
      %add3A_415 = arith.addf %add3A_395, %get3A_414 : vector<16xf32>
      %mul3A_416 = arith.constant 2 : i32
      %mul3A_417 = arith.muli %mul3A_416, %scan3A_286 : i32
      %add3A_418 = arith.constant 1 : i32
      %add3A_419 = arith.addi %mul3A_417, %add3A_418 : i32
      %mul3A_420 = arith.constant 16 : i32
      %mul3A_421 = arith.muli %add3A_419, %mul3A_420 : i32
      %add3A_422 = arith.constant 3072 : i32
      %add3A_423 = arith.addi %add3A_422, %mul3A_421 : i32
      %get3A_424 = arith.index_cast %add3A_423 : i32 to index
      %get3A_425 = tpu.vector_load %arg8[%get3A_424] {strides = array<i32>} : memref<10240xf32, #tpu.memory_space<vmem>>, vector<16xf32>,
      %add3A_426 = arith.addf %add3A_406, %get3A_425 : vector<16xf32>
      %mul3A_427 = arith.constant 2 : i32
      %mul3A_428 = arith.muli %mul3A_427, %scan3A_286 : i32
      %mul3A_429 = arith.constant 16 : i32
      %mul3A_430 = arith.muli %mul3A_428, %mul3A_429 : i32
      %add3A_431 = arith.constant 3584 : i32
      %add3A_432 = arith.addi %add3A_431, %mul3A_430 : i32
      %get3A_433 = arith.index_cast %add3A_432 : i32 to index
      %get3A_434 = tpu.vector_load %arg8[%get3A_433] {strides = array<i32>} : memref<10240xf32, #tpu.memory_space<vmem>>, vector<16xf32>,
      %add3A_435 = arith.addf %add3A_415, %get3A_434 : vector<16xf32>
      %mul3A_436 = arith.constant 2 : i32
      %mul3A_437 = arith.muli %mul3A_436, %scan3A_286 : i32
      %add3A_438 = arith.constant 1 : i32
      %add3A_439 = arith.addi %mul3A_437, %add3A_438 : i32
      %mul3A_440 = arith.constant 16 : i32
      %mul3A_441 = arith.muli %add3A_439, %mul3A_440 : i32
      %add3A_442 = arith.constant 3584 : i32
      %add3A_443 = arith.addi %add3A_442, %mul3A_441 : i32
      %get3A_444 = arith.index_cast %add3A_443 : i32 to index
      %get3A_445 = tpu.vector_load %arg8[%get3A_444] {strides = array<i32>} : memref<10240xf32, #tpu.memory_space<vmem>>, vector<16xf32>,
      %add3A_446 = arith.addf %add3A_426, %get3A_445 : vector<16xf32>
      %mul3A_447 = arith.constant 2 : i32
      %mul3A_448 = arith.muli %mul3A_447, %scan3A_286 : i32
      %mul3A_449 = arith.constant 16 : i32
      %mul3A_450 = arith.muli %mul3A_448, %mul3A_449 : i32
      %add3A_451 = arith.constant 4096 : i32
      %add3A_452 = arith.addi %add3A_451, %mul3A_450 : i32
      %get3A_453 = arith.index_cast %add3A_452 : i32 to index
      %get3A_454 = tpu.vector_load %arg8[%get3A_453] {strides = array<i32>} : memref<10240xf32, #tpu.memory_space<vmem>>, vector<16xf32>,
      %add3A_455 = arith.addf %add3A_435, %get3A_454 : vector<16xf32>
      %mul3A_456 = arith.constant 2 : i32
      %mul3A_457 = arith.muli %mul3A_456, %scan3A_286 : i32
      %add3A_458 = arith.constant 1 : i32
      %add3A_459 = arith.addi %mul3A_457, %add3A_458 : i32
      %mul3A_460 = arith.constant 16 : i32
      %mul3A_461 = arith.muli %add3A_459, %mul3A_460 : i32
      %add3A_462 = arith.constant 4096 : i32
      %add3A_463 = arith.addi %add3A_462, %mul3A_461 : i32
      %get3A_464 = arith.index_cast %add3A_463 : i32 to index
      %get3A_465 = tpu.vector_load %arg8[%get3A_464] {strides = array<i32>} : memref<10240xf32, #tpu.memory_space<vmem>>, vector<16xf32>,
      %add3A_466 = arith.addf %add3A_446, %get3A_465 : vector<16xf32>
      %mul3A_467 = arith.constant 2 : i32
      %mul3A_468 = arith.muli %mul3A_467, %scan3A_286 : i32
      %mul3A_469 = arith.constant 16 : i32
      %mul3A_470 = arith.muli %mul3A_468, %mul3A_469 : i32
      %add3A_471 = arith.constant 4608 : i32
      %add3A_472 = arith.addi %add3A_471, %mul3A_470 : i32
      %get3A_473 = arith.index_cast %add3A_472 : i32 to index
      %get3A_474 = tpu.vector_load %arg8[%get3A_473] {strides = array<i32>} : memref<10240xf32, #tpu.memory_space<vmem>>, vector<16xf32>,
      %add3A_475 = arith.addf %add3A_455, %get3A_474 : vector<16xf32>
      %mul3A_476 = arith.constant 2 : i32
      %mul3A_477 = arith.muli %mul3A_476, %scan3A_286 : i32
      %add3A_478 = arith.constant 1 : i32
      %add3A_479 = arith.addi %mul3A_477, %add3A_478 : i32
      %mul3A_480 = arith.constant 16 : i32
      %mul3A_481 = arith.muli %add3A_479, %mul3A_480 : i32
      %add3A_482 = arith.constant 4608 : i32
      %add3A_483 = arith.addi %add3A_482, %mul3A_481 : i32
      %get3A_484 = arith.index_cast %add3A_483 : i32 to index
      %get3A_485 = tpu.vector_load %arg8[%get3A_484] {strides = array<i32>} : memref<10240xf32, #tpu.memory_space<vmem>>, vector<16xf32>,
      %add3A_486 = arith.addf %add3A_466, %get3A_485 : vector<16xf32>
      %mul3A_487 = arith.constant 2 : i32
      %mul3A_488 = arith.muli %mul3A_487, %scan3A_286 : i32
      %mul3A_489 = arith.constant 16 : i32
      %mul3A_490 = arith.muli %mul3A_488, %mul3A_489 : i32
      %add3A_491 = arith.constant 5120 : i32
      %add3A_492 = arith.addi %add3A_491, %mul3A_490 : i32
      %get3A_493 = arith.index_cast %add3A_492 : i32 to index
      %get3A_494 = tpu.vector_load %arg8[%get3A_493] {strides = array<i32>} : memref<10240xf32, #tpu.memory_space<vmem>>, vector<16xf32>,
      %add3A_495 = arith.addf %add3A_475, %get3A_494 : vector<16xf32>
      %mul3A_496 = arith.constant 2 : i32
      %mul3A_497 = arith.muli %mul3A_496, %scan3A_286 : i32
      %add3A_498 = arith.constant 1 : i32
      %add3A_499 = arith.addi %mul3A_497, %add3A_498 : i32
      %mul3A_500 = arith.constant 16 : i32
      %mul3A_501 = arith.muli %add3A_499, %mul3A_500 : i32
      %add3A_502 = arith.constant 5120 : i32
      %add3A_503 = arith.addi %add3A_502, %mul3A_501 : i32
      %get3A_504 = arith.index_cast %add3A_503 : i32 to index
      %get3A_505 = tpu.vector_load %arg8[%get3A_504] {strides = array<i32>} : memref<10240xf32, #tpu.memory_space<vmem>>, vector<16xf32>,
      %add3A_506 = arith.addf %add3A_486, %get3A_505 : vector<16xf32>
      %mul3A_507 = arith.constant 2 : i32
      %mul3A_508 = arith.muli %mul3A_507, %scan3A_286 : i32
      %mul3A_509 = arith.constant 16 : i32
      %mul3A_510 = arith.muli %mul3A_508, %mul3A_509 : i32
      %add3A_511 = arith.constant 5632 : i32
      %add3A_512 = arith.addi %add3A_511, %mul3A_510 : i32
      %get3A_513 = arith.index_cast %add3A_512 : i32 to index
      %get3A_514 = tpu.vector_load %arg8[%get3A_513] {strides = array<i32>} : memref<10240xf32, #tpu.memory_space<vmem>>, vector<16xf32>,
      %add3A_515 = arith.addf %add3A_495, %get3A_514 : vector<16xf32>
      %mul3A_516 = arith.constant 2 : i32
      %mul3A_517 = arith.muli %mul3A_516, %scan3A_286 : i32
      %add3A_518 = arith.constant 1 : i32
      %add3A_519 = arith.addi %mul3A_517, %add3A_518 : i32
      %mul3A_520 = arith.constant 16 : i32
      %mul3A_521 = arith.muli %add3A_519, %mul3A_520 : i32
      %add3A_522 = arith.constant 5632 : i32
      %add3A_523 = arith.addi %add3A_522, %mul3A_521 : i32
      %get3A_524 = arith.index_cast %add3A_523 : i32 to index
      %get3A_525 = tpu.vector_load %arg8[%get3A_524] {strides = array<i32>} : memref<10240xf32, #tpu.memory_space<vmem>>, vector<16xf32>,
      %add3A_526 = arith.addf %add3A_506, %get3A_525 : vector<16xf32>
      %mul3A_527 = arith.constant 2 : i32
      %mul3A_528 = arith.muli %mul3A_527, %scan3A_286 : i32
      %mul3A_529 = arith.constant 16 : i32
      %mul3A_530 = arith.muli %mul3A_528, %mul3A_529 : i32
      %add3A_531 = arith.constant 6144 : i32
      %add3A_532 = arith.addi %add3A_531, %mul3A_530 : i32
      %get3A_533 = arith.index_cast %add3A_532 : i32 to index
      %get3A_534 = tpu.vector_load %arg8[%get3A_533] {strides = array<i32>} : memref<10240xf32, #tpu.memory_space<vmem>>, vector<16xf32>,
      %add3A_535 = arith.addf %add3A_515, %get3A_534 : vector<16xf32>
      %mul3A_536 = arith.constant 2 : i32
      %mul3A_537 = arith.muli %mul3A_536, %scan3A_286 : i32
      %add3A_538 = arith.constant 1 : i32
      %add3A_539 = arith.addi %mul3A_537, %add3A_538 : i32
      %mul3A_540 = arith.constant 16 : i32
      %mul3A_541 = arith.muli %add3A_539, %mul3A_540 : i32
      %add3A_542 = arith.constant 6144 : i32
      %add3A_543 = arith.addi %add3A_542, %mul3A_541 : i32
      %get3A_544 = arith.index_cast %add3A_543 : i32 to index
      %get3A_545 = tpu.vector_load %arg8[%get3A_544] {strides = array<i32>} : memref<10240xf32, #tpu.memory_space<vmem>>, vector<16xf32>,
      %add3A_546 = arith.addf %add3A_526, %get3A_545 : vector<16xf32>
      %mul3A_547 = arith.constant 2 : i32
      %mul3A_548 = arith.muli %mul3A_547, %scan3A_286 : i32
      %mul3A_549 = arith.constant 16 : i32
      %mul3A_550 = arith.muli %mul3A_548, %mul3A_549 : i32
      %add3A_551 = arith.constant 6656 : i32
      %add3A_552 = arith.addi %add3A_551, %mul3A_550 : i32
      %get3A_553 = arith.index_cast %add3A_552 : i32 to index
      %get3A_554 = tpu.vector_load %arg8[%get3A_553] {strides = array<i32>} : memref<10240xf32, #tpu.memory_space<vmem>>, vector<16xf32>,
      %add3A_555 = arith.addf %add3A_535, %get3A_554 : vector<16xf32>
      %mul3A_556 = arith.constant 2 : i32
      %mul3A_557 = arith.muli %mul3A_556, %scan3A_286 : i32
      %add3A_558 = arith.constant 1 : i32
      %add3A_559 = arith.addi %mul3A_557, %add3A_558 : i32
      %mul3A_560 = arith.constant 16 : i32
      %mul3A_561 = arith.muli %add3A_559, %mul3A_560 : i32
      %add3A_562 = arith.constant 6656 : i32
      %add3A_563 = arith.addi %add3A_562, %mul3A_561 : i32
      %get3A_564 = arith.index_cast %add3A_563 : i32 to index
      %get3A_565 = tpu.vector_load %arg8[%get3A_564] {strides = array<i32>} : memref<10240xf32, #tpu.memory_space<vmem>>, vector<16xf32>,
      %add3A_566 = arith.addf %add3A_546, %get3A_565 : vector<16xf32>
      %mul3A_567 = arith.constant 2 : i32
      %mul3A_568 = arith.muli %mul3A_567, %scan3A_286 : i32
      %mul3A_569 = arith.constant 16 : i32
      %mul3A_570 = arith.muli %mul3A_568, %mul3A_569 : i32
      %add3A_571 = arith.constant 7168 : i32
      %add3A_572 = arith.addi %add3A_571, %mul3A_570 : i32
      %get3A_573 = arith.index_cast %add3A_572 : i32 to index
      %get3A_574 = tpu.vector_load %arg8[%get3A_573] {strides = array<i32>} : memref<10240xf32, #tpu.memory_space<vmem>>, vector<16xf32>,
      %add3A_575 = arith.addf %add3A_555, %get3A_574 : vector<16xf32>
      %mul3A_576 = arith.constant 2 : i32
      %mul3A_577 = arith.muli %mul3A_576, %scan3A_286 : i32
      %add3A_578 = arith.constant 1 : i32
      %add3A_579 = arith.addi %mul3A_577, %add3A_578 : i32
      %mul3A_580 = arith.constant 16 : i32
      %mul3A_581 = arith.muli %add3A_579, %mul3A_580 : i32
      %add3A_582 = arith.constant 7168 : i32
      %add3A_583 = arith.addi %add3A_582, %mul3A_581 : i32
      %get3A_584 = arith.index_cast %add3A_583 : i32 to index
      %get3A_585 = tpu.vector_load %arg8[%get3A_584] {strides = array<i32>} : memref<10240xf32, #tpu.memory_space<vmem>>, vector<16xf32>,
      %add3A_586 = arith.addf %add3A_566, %get3A_585 : vector<16xf32>
      %mul3A_587 = arith.constant 2 : i32
      %mul3A_588 = arith.muli %mul3A_587, %scan3A_286 : i32
      %mul3A_589 = arith.constant 16 : i32
      %mul3A_590 = arith.muli %mul3A_588, %mul3A_589 : i32
      %add3A_591 = arith.constant 7680 : i32
      %add3A_592 = arith.addi %add3A_591, %mul3A_590 : i32
      %get3A_593 = arith.index_cast %add3A_592 : i32 to index
      %get3A_594 = tpu.vector_load %arg8[%get3A_593] {strides = array<i32>} : memref<10240xf32, #tpu.memory_space<vmem>>, vector<16xf32>,
      %add3A_595 = arith.addf %add3A_575, %get3A_594 : vector<16xf32>
      %mul3A_596 = arith.constant 2 : i32
      %mul3A_597 = arith.muli %mul3A_596, %scan3A_286 : i32
      %add3A_598 = arith.constant 1 : i32
      %add3A_599 = arith.addi %mul3A_597, %add3A_598 : i32
      %mul3A_600 = arith.constant 16 : i32
      %mul3A_601 = arith.muli %add3A_599, %mul3A_600 : i32
      %add3A_602 = arith.constant 7680 : i32
      %add3A_603 = arith.addi %add3A_602, %mul3A_601 : i32
      %get3A_604 = arith.index_cast %add3A_603 : i32 to index
      %get3A_605 = tpu.vector_load %arg8[%get3A_604] {strides = array<i32>} : memref<10240xf32, #tpu.memory_space<vmem>>, vector<16xf32>,
      %add3A_606 = arith.addf %add3A_586, %get3A_605 : vector<16xf32>
      %mul3A_607 = arith.constant 2 : i32
      %mul3A_608 = arith.muli %mul3A_607, %scan3A_286 : i32
      %mul3A_609 = arith.constant 16 : i32
      %mul3A_610 = arith.muli %mul3A_608, %mul3A_609 : i32
      %add3A_611 = arith.constant 8192 : i32
      %add3A_612 = arith.addi %add3A_611, %mul3A_610 : i32
      %get3A_613 = arith.index_cast %add3A_612 : i32 to index
      %get3A_614 = tpu.vector_load %arg8[%get3A_613] {strides = array<i32>} : memref<10240xf32, #tpu.memory_space<vmem>>, vector<16xf32>,
      %add3A_615 = arith.addf %add3A_595, %get3A_614 : vector<16xf32>
      %mul3A_616 = arith.constant 2 : i32
      %mul3A_617 = arith.muli %mul3A_616, %scan3A_286 : i32
      %add3A_618 = arith.constant 1 : i32
      %add3A_619 = arith.addi %mul3A_617, %add3A_618 : i32
      %mul3A_620 = arith.constant 16 : i32
      %mul3A_621 = arith.muli %add3A_619, %mul3A_620 : i32
      %add3A_622 = arith.constant 8192 : i32
      %add3A_623 = arith.addi %add3A_622, %mul3A_621 : i32
      %get3A_624 = arith.index_cast %add3A_623 : i32 to index
      %get3A_625 = tpu.vector_load %arg8[%get3A_624] {strides = array<i32>} : memref<10240xf32, #tpu.memory_space<vmem>>, vector<16xf32>,
      %add3A_626 = arith.addf %add3A_606, %get3A_625 : vector<16xf32>
      %mul3A_627 = arith.constant 2 : i32
      %mul3A_628 = arith.muli %mul3A_627, %scan3A_286 : i32
      %mul3A_629 = arith.constant 16 : i32
      %mul3A_630 = arith.muli %mul3A_628, %mul3A_629 : i32
      %add3A_631 = arith.constant 8704 : i32
      %add3A_632 = arith.addi %add3A_631, %mul3A_630 : i32
      %get3A_633 = arith.index_cast %add3A_632 : i32 to index
      %get3A_634 = tpu.vector_load %arg8[%get3A_633] {strides = array<i32>} : memref<10240xf32, #tpu.memory_space<vmem>>, vector<16xf32>,
      %add3A_635 = arith.addf %add3A_615, %get3A_634 : vector<16xf32>
      %mul3A_636 = arith.constant 2 : i32
      %mul3A_637 = arith.muli %mul3A_636, %scan3A_286 : i32
      %add3A_638 = arith.constant 1 : i32
      %add3A_639 = arith.addi %mul3A_637, %add3A_638 : i32
      %mul3A_640 = arith.constant 16 : i32
      %mul3A_641 = arith.muli %add3A_639, %mul3A_640 : i32
      %add3A_642 = arith.constant 8704 : i32
      %add3A_643 = arith.addi %add3A_642, %mul3A_641 : i32
      %get3A_644 = arith.index_cast %add3A_643 : i32 to index
      %get3A_645 = tpu.vector_load %arg8[%get3A_644] {strides = array<i32>} : memref<10240xf32, #tpu.memory_space<vmem>>, vector<16xf32>,
      %add3A_646 = arith.addf %add3A_626, %get3A_645 : vector<16xf32>
      %mul3A_647 = arith.constant 2 : i32
      %mul3A_648 = arith.muli %mul3A_647, %scan3A_286 : i32
      %mul3A_649 = arith.constant 16 : i32
      %mul3A_650 = arith.muli %mul3A_648, %mul3A_649 : i32
      %add3A_651 = arith.constant 9216 : i32
      %add3A_652 = arith.addi %add3A_651, %mul3A_650 : i32
      %get3A_653 = arith.index_cast %add3A_652 : i32 to index
      %get3A_654 = tpu.vector_load %arg8[%get3A_653] {strides = array<i32>} : memref<10240xf32, #tpu.memory_space<vmem>>, vector<16xf32>,
      %add3A_655 = arith.addf %add3A_635, %get3A_654 : vector<16xf32>
      %mul3A_656 = arith.constant 2 : i32
      %mul3A_657 = arith.muli %mul3A_656, %scan3A_286 : i32
      %add3A_658 = arith.constant 1 : i32
      %add3A_659 = arith.addi %mul3A_657, %add3A_658 : i32
      %mul3A_660 = arith.constant 16 : i32
      %mul3A_661 = arith.muli %add3A_659, %mul3A_660 : i32
      %add3A_662 = arith.constant 9216 : i32
      %add3A_663 = arith.addi %add3A_662, %mul3A_661 : i32
      %get3A_664 = arith.index_cast %add3A_663 : i32 to index
      %get3A_665 = tpu.vector_load %arg8[%get3A_664] {strides = array<i32>} : memref<10240xf32, #tpu.memory_space<vmem>>, vector<16xf32>,
      %add3A_666 = arith.addf %add3A_646, %get3A_665 : vector<16xf32>
      %mul3A_667 = arith.constant 2 : i32
      %mul3A_668 = arith.muli %mul3A_667, %scan3A_286 : i32
      %mul3A_669 = arith.constant 16 : i32
      %mul3A_670 = arith.muli %mul3A_668, %mul3A_669 : i32
      %add3A_671 = arith.constant 9728 : i32
      %add3A_672 = arith.addi %add3A_671, %mul3A_670 : i32
      %get3A_673 = arith.index_cast %add3A_672 : i32 to index
      %get3A_674 = tpu.vector_load %arg8[%get3A_673] {strides = array<i32>} : memref<10240xf32, #tpu.memory_space<vmem>>, vector<16xf32>,
      %add3A_675 = arith.addf %add3A_655, %get3A_674 : vector<16xf32>
      %mul3A_676 = arith.constant 2 : i32
      %mul3A_677 = arith.muli %mul3A_676, %scan3A_286 : i32
      %add3A_678 = arith.constant 1 : i32
      %add3A_679 = arith.addi %mul3A_677, %add3A_678 : i32
      %mul3A_680 = arith.constant 16 : i32
      %mul3A_681 = arith.muli %add3A_679, %mul3A_680 : i32
      %add3A_682 = arith.constant 9728 : i32
      %add3A_683 = arith.addi %add3A_682, %mul3A_681 : i32
      %get3A_684 = arith.index_cast %add3A_683 : i32 to index
      %get3A_685 = tpu.vector_load %arg8[%get3A_684] {strides = array<i32>} : memref<10240xf32, #tpu.memory_space<vmem>>, vector<16xf32>,
      %add3A_686 = arith.addf %add3A_666, %get3A_685 : vector<16xf32>
      %mul3A_687 = arith.constant 2 : i32
      %mul3A_688 = arith.muli %mul3A_687, %scan3A_286 : i32
      %mul3A_689 = arith.constant 16 : i32
      %mul3A_690 = arith.muli %mul3A_688, %mul3A_689 : i32
      %swap3A_691 = arith.index_cast %mul3A_690 : i32 to index
      %swap3A_692 = tpu.vector_load %arg9[%swap3A_691] {strides = array<i32>} : memref<512xf32, #tpu.memory_space<vmem>>, vector<16xf32>,
      tpu.vector_store %arg9[%swap3A_691], %add3A_675 {strides = array<i32>} : memref<512xf32, #tpu.memory_space<vmem>>, vector<16xf32>,
      %mul3A_693 = arith.constant 2 : i32
      %mul3A_694 = arith.muli %mul3A_693, %scan3A_286 : i32
      %add3A_695 = arith.constant 1 : i32
      %add3A_696 = arith.addi %mul3A_694, %add3A_695 : i32
      %mul3A_697 = arith.constant 16 : i32
      %mul3A_698 = arith.muli %add3A_696, %mul3A_697 : i32
      %swap3A_699 = arith.index_cast %mul3A_698 : i32 to index
      %swap3A_700 = tpu.vector_load %arg9[%swap3A_699] {strides = array<i32>} : memref<512xf32, #tpu.memory_space<vmem>>, vector<16xf32>,
      tpu.vector_store %arg9[%swap3A_699], %add3A_686 {strides = array<i32>} : memref<512xf32, #tpu.memory_space<vmem>>, vector<16xf32>,
    }
    %scan3A_285 = arith.constant 16 : i32
    "tpu.trace_stop"() : () -> ()
    "tpu.region"() ({
      %run_scoped3A = tpu.sem_alloc : memref<!tpu.dma_semaphore, #tpu.memory_space<semaphore_mem>>
      %dma_start3A_286 = tpu.memref_slice %arg6[%mul3A_2] : memref<16384xf32, #tpu.memory_space<hbm>> -> memref<512xf32, #tpu.memory_space<hbm>>
      %dma_start3A_287 = tpu.memref_slice %arg6[%mul3A_2] : memref<16384xf32, #tpu.memory_space<hbm>> -> memref<512xf32, #tpu.memory_space<hbm>>
      tpu.enqueue_dma source(%arg9 : memref<512xf32, #tpu.memory_space<vmem>>) target(%dma_start3A_287 : memref<512xf32, #tpu.memory_space<hbm>>) target_semaphore(%run_scoped3A : memref<!tpu.dma_semaphore, #tpu.memory_space<semaphore_mem>>)
      %dma_wait3A_288 = tpu.memref_slice %arg6[%mul3A_2] : memref<16384xf32, #tpu.memory_space<hbm>> -> memref<512xf32, #tpu.memory_space<hbm>>
      %dma_wait3A_289 = tpu.memref_slice %arg6[%mul3A_2] : memref<16384xf32, #tpu.memory_space<hbm>> -> memref<512xf32, #tpu.memory_space<hbm>>
      tpu.wait_dma2 semaphore(%run_scoped3A : memref<!tpu.dma_semaphore, #tpu.memory_space<semaphore_mem>>) src(%arg9 : memref<512xf32, #tpu.memory_space<vmem>>) dst(%dma_wait3A_289 : memref<512xf32, #tpu.memory_space<hbm>>)
      tpu.yield
    }) : () -> ()
    return
  }
}

</mosaic_0001>

<sc_bundles>
// kernel: _run.3.cloned.1.call-start
scs
__scs_entry_jumppad:
0x0: {  	(pc) =	sbr.rel $0x88, $3  }
0x1: {  	(tag) =	ssettag $0x0;
	lr =	simm.s32 $0x1  }
0x2: {  	[smem:$0x3F9D] =	sst lr;
	_ =	strace $0xD0000000  }
0x3: {  	_ = 	snop  }
0x4: {  	_ = 	snop  }
0x5: {  	_ = 	snop  }
0x6: {  	_ = 	snop  }
0x7: {  	_ = 	snop  }
__scs_overlays_trampoline_lowered:
0x8: {  	[smem:$0x3FAC] =	sst s0  }
0x9: {  	[smem:$0x3FAD] =	sst s1  }
0xa: {  	[smem:$0x3FAE] =	sst s2  }
0xb: {  	[smem:$0x3FAF] =	sst s3  }
0xc: {  	[smem:$0x3FB0] =	sst s4  }
0xd: {  	[smem:$0x3FB1] =	sst s5  }
0xe: {  	[smem:$0x3FB2] =	sst s6  }
0xf: {  	[smem:$0x3FB3] =	sst s7  }
0x10: {  	[smem:$0x3FB4] =	sst s8  }
0x11: {  	[smem:$0x3FB5] =	sst s9;
	s0 =	simm.s32 @!p0 $0x0  }
0x12: {  	s1 =	sld [smem:$0x3F9B];
	s0 =	simm.s32 @p0 $0x1  }
0x13: {  	[smem:$0x3FB6] =	sst s0;
	s0 =	simm.s32 @!p1 $0x0  }
0x14: {  	s2 =	sld [smem:$0x3F9A];
	s0 =	simm.s32 @p1 $0x1  }
0x15: {  	[smem:$0x3FB7] =	sst s0;
	s0 =	simm.s32 @!p2 $0x0  }
0x16: {  	s3 =	sld [smem:$0x3FDB];
	s0 =	simm.s32 @p2 $0x1  }
0x17: {  	s4 =	simm.s32 $0x1BF5;
	[smem:$0x3FB9] =	sst s0  }
0x18: {  	s0 =	sld [smem:$0x3F9C];
	_ =	swait.ge [sflag:s4], $0x0  }
0x19: {  	s7 =	sld [smem:$0x3F9D]  }
0x1a: {  	s8 =	sadd.s32 $0xFFFFE003, lr  }
0x1b: {  	s9 =	sadd.s32 $0xFFFFFEF7, lr;
	s5 =	simm.s32 $0xFFFFFFFF;
	p2 =	slt.u32 s8, $0xFFFFF086  }
0x1c: {  	p1 =	slt.u32 s9, $0xF7A;
	s5 =	simm.s32 @!p2 $0x0  }
0x1d: {  	s5 =	simm.s32 @p1 $0x1;
	p0 =	seq.s32 s7, s2  }
0x1e: {  	s7 =	smul.u32 @!p0 $0xF7A, s2;
	p2 =	seq.s32 @!p0 s5, $0x0  }
0x1f: {  	s9 =	smul.u32 $0xF7A, s1;
	s8 =	simm.s32 @!p0 $0x1BF5;
	p2 =	por !p2, p0  }
0x20: {  	[sflag:s8] =	ssyncset.s32 @!p0 $0xFFFFF086;
	s6 =	sadd.s32 @!p0 s3, s7;
	s7 =	simm.s32 @!p0 $0x108  }
0x21: {  	s3 =	sadd.s32 s3, s9;
	s6 =	sadd.s32 @!p0 $0x88, s6;
	s7 =	simm.s32 @p2 $0x1082  }
0x22: {  	[simem:s7], [sflag:s8] =	dma.local @!p0 [hbm:s6], $0xF7A  }
0x23: {  	s9 =	sor.u32 $0xD0000000, s2;
	s6 =	simm.s32 $0x108;
	_ =	swait.ge @!p0 [sflag:s8], $0x0  }
0x24: {  	s3 =	sadd.s32 $0x88, s3;
	s6 =	simm.s32 @!p1 $0x1082;
	[sflag:s4] =	ssyncset.s32 $0xFFFFF086  }
0x25: {  	[simem:s6], [sflag:s4] =	dma.local [hbm:s3], $0xF7A  }
0x26: {  	[smem:$0x3F9D] =	sst s1;
	(tag) =	ssettag s2;
	_ =	strace s9  }
0x27: {  	s1 =	sld [smem:$0x3FAD]  }
0x28: {  	s2 =	sld [smem:$0x3FAE]  }
0x29: {  	s4 =	sld [smem:$0x3FB0]  }
0x2a: {  	p0 =	seq.s32 s5, $0x0;
	s5 =	sld [smem:$0x3FB1]  }
0x2b: {  	s6 =	sld [smem:$0x3FB2]  }
0x2c: {  	s7 =	sld [smem:$0x3FB3]  }
0x2d: {  	s3 =	simm.s32 $0x108;
	s8 =	sld [smem:$0x3FB4]  }
0x2e: {  	s3 =	simm.s32 @!p0 $0x1082;
	s9 =	sld [smem:$0x3FB5]  }
0x2f: {  	lr =	sadd.s32 s0, s3;
	s0 =	sld [smem:$0x3FAC]  }
0x30: {  	s3 =	sld [smem:$0x3FAF]  }
0x31: {  	[smem:$0x3FB8] =	sst s10  }
0x32: {  	s10 =	sld [smem:$0x3FB6];
	_ =	sdelay $0x3  }
0x33: {  	p0 =	seq.s32 s10, $0x1;
	s10 =	sld [smem:$0x3FB8];
	_ =	sdelay $0x3  }
0x34: {  	[smem:$0x3FB8] =	sst s10  }
0x35: {  	s10 =	sld [smem:$0x3FB7];
	_ =	sdelay $0x3  }
0x36: {  	p1 =	seq.s32 s10, $0x1;
	s10 =	sld [smem:$0x3FB8];
	_ =	sdelay $0x3  }
0x37: {  	[smem:$0x3FB8] =	sst s10  }
0x38: {  	s10 =	sld [smem:$0x3FB9]  }
0x39: {  	_ = 	snop;
	(pc) =	sbr.ind lr, $3  }
0x3a: {  	_ = 	snop  }
0x3b: {  	_ = 	snop  }
0x3c: {  	p2 =	seq.s32 s10, $0x1;
	s10 =	sld [smem:$0x3FB8]  }
0x3d: {  	_ =	shalt  }
0x3e: {  	_ =	shalt  }
0x3f: {  	_ =	shalt  }
0x40: {  	_ =	shalt  }
0x41: {  	_ =	shalt  }
0x42: {  	_ =	shalt  }
0x43: {  	_ =	shalt  }
0x44: {  	_ =	shalt  }
0x45: {  	_ =	shalt  }
0x46: {  	_ =	shalt  }
0x47: {  	_ =	shalt  }
0x48: {  	_ =	shalt  }
0x49: {  	_ =	shalt  }
0x4a: {  	_ =	shalt  }
0x4b: {  	_ =	shalt  }
0x4c: {  	_ =	shalt  }
0x4d: {  	_ =	shalt  }
0x4e: {  	_ =	shalt  }
0x4f: {  	_ =	shalt  }
0x50: {  	_ =	shalt  }
0x51: {  	_ =	shalt  }
0x52: {  	_ =	shalt  }
0x53: {  	_ =	shalt  }
0x54: {  	_ =	shalt  }
0x55: {  	_ =	shalt  }
0x56: {  	_ =	shalt  }
0x57: {  	_ =	shalt  }
0x58: {  	_ =	shalt  }
0x59: {  	_ =	shalt  }
0x5a: {  	_ =	shalt  }
0x5b: {  	_ =	shalt  }
0x5c: {  	_ =	shalt  }
0x5d: {  	_ =	shalt  }
0x5e: {  	_ =	shalt  }
0x5f: {  	_ =	shalt  }
0x60: {  	_ =	shalt  }
0x61: {  	_ =	shalt  }
0x62: {  	_ =	shalt  }
0x63: {  	_ =	shalt  }
0x64: {  	_ =	shalt  }
0x65: {  	_ =	shalt  }
0x66: {  	_ =	shalt  }
0x67: {  	_ =	shalt  }
0x68: {  	_ =	shalt  }
0x69: {  	_ =	shalt  }
0x6a: {  	_ =	shalt  }
0x6b: {  	_ =	shalt  }
0x6c: {  	_ =	shalt  }
0x6d: {  	_ =	shalt  }
0x6e: {  	_ =	shalt  }
0x6f: {  	_ =	shalt  }
0x70: {  	_ =	shalt  }
0x71: {  	_ =	shalt  }
0x72: {  	_ =	shalt  }
0x73: {  	_ =	shalt  }
0x74: {  	_ =	shalt  }
0x75: {  	_ =	shalt  }
0x76: {  	_ =	shalt  }
0x77: {  	_ =	shalt  }
0x78: {  	_ =	shalt  }
0x79: {  	_ =	shalt  }
0x7a: {  	_ =	shalt  }
0x7b: {  	_ =	shalt  }
0x7c: {  	_ =	shalt  }
0x7d: {  	_ =	shalt  }
0x7e: {  	_ =	shalt  }
0x7f: {  	_ =	shalt  }
0x80: {  	_ =	shalt  }
0x81: {  	_ =	shalt  }
0x82: {  	_ =	shalt  }
0x83: {  	_ =	shalt  }
0x84: {  	_ =	shalt  }
0x85: {  	_ =	shalt  }
0x86: {  	_ =	shalt  }
0x87: {  	_ =	shalt  }
.Lfunc_end0:
.L_simem_size_0:
called_computation_lowered:
.L_overlay_start_0:
0x88: {  	s2 =	sld [smem:$0x3FD9]  }
0x89: {  	s3 =	sld [smem:$0x3FFE];
	_ =	sdelay $0x1  }
0x8a: {  	s1 =	srdreg.scid  }
0x8b: {  	s0 =	sand.u32 $0x1, s1  }
0x8c: {  	s18 =	sshll.u32 s0, $0xA;
	s2 =	sadd.s32 s3, s2  }
0x8d: {  	s2 =	sadd.s32 s2, s18  }
0x8e: {  	[smem:$0x3FC4] =	sst s2  }
0x8f: {  	_ = 	snop  }
0x90: {  	s2 =	sld [smem:$0x3FC9]  }
0x91: {  	s19 =	sld [smem:$0x3FC8]  }
0x92: {  	s4 =	sld [smem:$0x3FC7]  }
0x93: {  	s5 =	sld [smem:$0x3FC6]  }
0x94: {  	s6 =	sld [smem:$0x3FD0];
	(tm) =	ssettm $0x1  }
0x95: {  	s7 =	sld [smem:$0x3FFB];
	_ =	sdelay $0x3  }
0x96: {  	_ =	strace s7  }
0x97: {  	s7 =	sld [smem:$0x3FFC];
	_ =	sdelay $0x3  }
0x98: {  	_ =	strace s7  }
0x99: {  	s7 =	sld [smem:$0x3FFD];
	_ =	sdelay $0x3  }
0x9a: {  	_ =	strace s7  }
0x9b: {  	_ =	strace $0x8FFFFFFF  }
0x9c: {  	s20 =	sld [smem:$0x3FDB];
	_ =	sdelay $0x1  }
0x9d: {  	s8 =	simm.s32 $_scs_section_size  }
0x9e: {  	s9 =	simm.s32 $_size__tile_overlayer_lowered;
	s10 =	simm.s32 $_tile_overlayer_lowered  }
0x9f: {  	s23 =	simm.s32 $0x1BFF;
	s22 =	sshll.u32 s10, $0x1;
	s7 =	sadd.s32 s8, s20  }
0xa0: {  	s11 =	simm.s32 $0x0;
	s21 =	sshll.u32 s9, $0x1;
	s9 =	sadd.s32 s22, s7  }
0xa1: {  	[timem:s11], [sflag:s23] =	dma.local [hbm:s9], s21  }
0xa2: {  	_ =	swait.ge [sflag:s23], s21  }
0xa3: {  	s8 =	ssub.s32 $0x0, s21;
	[sflag:s23] =	ssyncset.done $0x0  }
0xa4: {  	[sflag:s23] =	ssyncadd.s32 s8;
	_ =	sdelay $0x1  }
0xa5: {  	s24 =	simm.s32 $0x1B8B  }
0xa6: {  	_ =	swait.ge [sflag:s24], $0x1  }
0xa7: {  	[sflag:s24] =	ssyncset.done $0x0  }
0xa8: {  	s25 =	simm.s32 $0x1B8E;
	[sflag:s24] =	ssyncadd.s32 $0xFFFFFFFF  }
0xa9: {  	s26 =	simm.s32 $execute0_lowered;
	[smem:$0x3FD2] =	sst s25  }
0xaa: {  	s8 =	sshll.u32 s26, $0x1;
	_ =	strace $0x80000046;
	[dreg:$0x1] =	wrdreg $0xFFFFFFFF  }
0xab: {  	s28 =	simm.s32 $_size_execute0_lowered;
	s7 =	sadd.s32 s7, s8;
	[dreg:$0x0] =	wrdreg $0x0  }
0xac: {  	s8 =	sshll.u32 s28, $0x1;
	[dreg:$0x2] =	wrdreg s7  }
0xad: {  	[dreg:$0x3] =	wrdreg s8  }
0xae: {  	[dreg:$0x4] =	wrdreg $0xC0  }
0xaf: {  	_ =	task [dreg:s11], $0x5FFFF  }
0xb0: {  	[dreg:$0x1] =	wrdreg $0xFFFFFFFF  }
0xb1: {  	[dreg:$0x0] =	wrdreg $0x60  }
0xb2: {  	[dreg:$0x2] =	wrdreg s2  }
0xb3: {  	[dreg:$0x3] =	wrdreg s19  }
0xb4: {  	[dreg:$0x4] =	wrdreg s4  }
0xb5: {  	[dreg:$0x5] =	wrdreg s5  }
0xb6: {  	[dreg:$0x6] =	wrdreg s6  }
0xb7: {  	[dreg:$0x7] =	wrdreg $0x53000  }
0xb8: {  	[dreg:$0x8] =	wrdreg $0x9  }
0xb9: {  	_ =	task.clear_ibuf [dreg:s11], $0x9FFFF;
	_ =	strace $0x90000046  }
0xba: {  	s29 =	simm.s32 $0x9;
	_ =	strace $0x8000004E  }
0xbb: {  	_ =	swait.ge [sflag:s29], $0x1  }
0xbc: {  	[sflag:s29] =	ssyncadd.s32 $0xFFFFFFFF  }
0xbd: {  	_ =	strace $0x9000004E  }
0xbe: {  	_ =	sfence  }
0xbf: {  	s30 =	sld [smem:$0x0];
	_ =	sdelay $0x2  }
0xc0: {  	s31 =	sshll.u32 s1, $0xD;
	s1 =	sshrl.u32 s1, $0x2  }
0xc1: {  	s3 =	sand.u32 $0x4000, s31;
	s1 =	sadd.s32 s1, s30  }
0xc2: {  	s0 =	sor.u32 s3, s0;
	s1 =	sshll.u32 s1, $0x11  }
0xc3: {  	s0 =	sor.u32 s1, s0  }
0xc4: {  	s0 =	sadd.s32 $0x8F2B, s0  }
0xc5: {  	[sflag:s0] =	ssyncadd.remote.s32 $0x1  }
0xc6: {  	_ =	sfence.sel $0xFFFF  }
0xc7: {  	[dreg:$0x0] =	wrdreg $0xFFFFFFFF;
	(pc) =	sbr.abs _section_cstart, $3  }
0xc8: {  	[dreg:$0x1] =	wrdreg $0xFFFFFFFF  }
0xc9: {  	_ =	task.clear_ibuf [dreg:s11], $0x2FFFF;
	_ =	strace $0x9FFFFFFF  }
0xca: {  	(tm) =	ssettm $0x7FFFFFFF  }
0xcb: {  	_ =	shalt  }
tec
execute0_lowered:
.L_overlay_start_1:
0x0: {  	(tag) =	ssettag $0x1  }
0x1: {  	s0 =	rddreg [dreg:$0x1]  }
0x2: {  	s10 =	rddreg [dreg:$0x2]  }
0x3: {  	s1 =	rddreg [dreg:$0x4]  }
0x4: {  	s2 =	rddreg [dreg:$0x5];
	s5 =	simm.s32 $0x0  }
0x5: {  	[smem:$0x7FF] =	sst s5;
	s16 =	sadd.s32 $0x180, s2  }
0x6: {  	s17 =	sadd.s32 $0x9DC0, s2;
	_ =	strace $0x80000047;
	[dreg:$0x8] =	wrdreg s16  }
0x7: {  	s3 =	srdreg.scid;
	s18 =	sadd.s32 $0x13A00, s2;
	[dreg:$0x9] =	wrdreg s17  }
0x8: {  	s8 =	stileid.u32;
	s19 =	sadd.s32 $0x1D640, s2;
	[dreg:$0xa] =	wrdreg s18  }
0x9: {  	s11 =	simm.s32 $0x200;
	s20 =	sadd.s32 $0x27280, s2;
	[dreg:$0xb] =	wrdreg s19  }
0xa: {  	s12 =	simm.s32 $0x1;
	s21 =	sadd.s32 $0x30EC0, s2;
	[dreg:$0xc] =	wrdreg s20  }
0xb: {  	s3 =	sand.u32 $0x1, s3;
	s22 =	sadd.s32 $0x3AB00, s2;
	[dreg:$0xd] =	wrdreg s21  }
0xc: {  	vm0 =	vcmask $0x704;
	s7 =	smul.u32 $0xC400, s8;
	s23 =	sadd.s32 $0x44740, s2;
	[dreg:$0xe] =	wrdreg s22  }
0xd: {  	v1 =	vimm.s32 $0xEFCDAB89;
	v2 =	vimm.s32 $0x67452301;
	s8 =	sshll.u32 s8, $0xA;
	s24 =	sadd.s32 $0x4E380, s2;
	[dreg:$0xf] =	wrdreg s23  }
0xe: {  	v0 =	vimm.s32 $0x0;
	v4 =	vimm.s32 $0xDCFE98BA;
	v5 =	vimm.s32 $0x54761032;
	s25 =	sadd.s32 $0x57FC0, s2;
	s26 =	sadd.s32 $0x61C00, s2;
	[dreg:$0x10] =	wrdreg s24  }
0xf: {  	v6 =	vimm.s32 $0xBA98FEDC;
	s28 =	sadd.s32 $0xAFE00, s2;
	s29 =	sadd.s32 $0xB9A40, s2;
	v1 =	vunpack.c.l.s4.s8 v1;
	v2 =	vunpack.c.l.s4.s8 v2;
	[dreg:$0x11] =	wrdreg s25  }
0x10: {  	v7 =	vimm.s32 $0x32107654;
	v4 =	vunpack.c.l.s4.s8 v4;
	v5 =	vunpack.c.l.s4.s8 v5;
	s4 =	ssub.s32 $0x2, s3;
	s3 =	sshll.u32 s3, $0x9;
	[dreg:$0x12] =	wrdreg s26  }
0x11: {  	v3 =	vsel vm0, $0x9C40, v0;
	s19 =	sadd.s32 $0x6B840, s2;
	s20 =	sadd.s32 $0x75480, s2;
	s22 =	sadd.s32 $0x7F0C0, s2;
	v1 =	vunpack.c.0.s8.s32 v1;
	v2 =	vunpack.c.0.s8.s32 v2  }
0x12: {  	vm0 =	vcmask $0xB08;
	s23 =	sadd.s32 $0x88D00, s2;
	s24 =	sadd.s32 $0x92940, s2;
	s25 =	sadd.s32 $0x9C580, s2;
	v4 =	vunpack.c.0.s8.s32 v4;
	v5 =	vunpack.c.0.s8.s32 v5  }
0x13: {  	s26 =	sadd.s32 $0xA61C0, s2;
	v3 =	vsel vm0, $0x13880, v3;
	vm0 =	vcmask $0xF0C;
	s6 =	sshrl.u32 s4, $0x1;
	s9 =	sshrl.u32 s7, $0x3;
	v1 =	vcombine.low v2, v1  }
0x14: {  	s3 =	sor.u32 s3, s8;
	s14 =	sadd.s32 s7, s2;
	s2 =	simm.s32 $0x6;
	v2 =	vcombine.low v5, v4;
	v4 =	vunpack.c.l.s4.s8 v6;
	v5 =	vimm.s32 $0xFEDCBA98  }
0x15: {  	s7 =	simm.s32 $0x3;
	s8 =	simm.s32 $0x5;
	s4 =	ssub.s32 s4, s6;
	v6 =	vunpack.c.l.s4.s8 v7;
	v7 =	vimm.s32 $0x76543210;
	v5 =	vunpack.c.l.s4.s8 v5  }
0x16: {  	v3 =	vsel vm0, $0x1D4C0, v3;
	vm0 =	vcmask $0x1310;
	s13 =	sadd.s32 s10, s9;
	s6 =	sadd.s32 s0, s3;
	s3 =	sshrl.u32 s3, $0x3;
	v7 =	vunpack.c.l.s4.s8 v7  }
0x17: {  	s31 =	sshrl.u32 s14, $0x3;
	s0 =	simm.s32 $0x80;
	s9 =	simm.s32 $0x4;
	v4 =	vunpack.c.0.s8.s32 v4;
	v6 =	vunpack.c.0.s8.s32 v6;
	v5 =	vunpack.c.0.s8.s32 v5  }
0x18: {  	s10 =	simm.s32 $0x2;
	v3 =	vsel vm0, $0x27100, v3;
	vm0 =	vcmask $0x1714;
	s15 =	sadd.s32 $0x7500, s13;
	s21 =	sadd.s32 s1, s3;
	v7 =	vunpack.c.0.s8.s32 v7  }
0x19: {  	s30 =	smax.u32 s4, $0x1;
	s1 =	simm.s32 $0x400;
	s3 =	simm.s32 $0x5200;
	v3 =	vsel vm0, $0x30D40, v3;
	v4 =	vcombine.low v6, v4;
	v6 =	vand.u32 $0xF, v5  }
0x1a: {  	s4 =	simm.s32 $0x5000;
	vm0 =	vmmov $0x3f;
	s13 =	simm.s32 $0x0;
	[dreg:$0x7] =	wrdreg s15;
	v5 =	vimm.f32 $0.0e+00;
	v6 =	vcombine.low v6, v7  }
.LBB2_1:
0x1b: {  	s14 =	sand.u32 $0xC000, s5;
	s15 =	sand.u32 $0x70, s5  }
0x1c: {  	s14 =	sor.u32 s15, s14  }
0x1d: {  	_ =	strace $0x80000048;
	s18 =	simm.s32 $0x0;
	s14 =	sadd.s32 s14, s6  }
0x1e: {  	[tilespmem:s18], [sflag:$0x4] =	stream.strided.gather [hbm4b:s14+s0], $0x200, s1, s0, $0x200038;
	[tilespmem:$0x11700] =	vst v63  }
0x1f: {  	s15 =	simm.s32 $0x0;
	s14 =	simm.s32 $0x800  }
.LBB2_2:
0x20: {  	s16 =	sand.u32 $0xC000, s14;
	p0 =	sne.s32 s14, $0x9800  }
.Ltmp0:
0x21: {  	s15 =	sadd.s32 $0x10, s15;
	s17 =	smov.u32 s14;
	(pc) =	sbr.rel @p0 .LBB2_2-.Ltmp0, $4  }
0x22: {  	s14 =	sadd.s32 $0x800, s14;
	s18 =	sand.u32 $0x70, s15  }
0x23: {  	s16 =	sor.u32 s18, s16  }
0x24: {  	s17 =	sshra.s32 s17, $0x2;
	s16 =	sadd.s32 s16, s6  }
0x25: {  	[tilespmem:s17], [sflag:$0x4] =	stream.strided.gather [hbm4b:s16+s0], $0x200, s1, s0, $0x200038;
	[tilespmem:$0x11700] =	vst v63  }
0x26: {  	s14 =	stileid.u32  }
0x27: {  	_ =	strace $0x90000048;
	s14 =	sshll.u32 s14, $0x6  }
0x28: {  	s15 =	rddreg [dreg:$0x7];
	s14 =	sor.u32 $0x1C02, s14  }
0x29: {  	[spmem:s31], [sflag:s14] =	dma.local [hbm:s15], $0x1880  }
0x2a: {  	[tilespmem:$0x5200] =	vst v0;
	s15 =	simm.s32 $0x0;
	s14 =	rddreg [dreg:$0x0]  }
0x2b: {  	[tilespmem:s3], [sflag:$0x6] =	stream.linear.gather [hbm4b:s14+s15], $0x6, $0x38;
	[tilespmem:$0x11700] =	vst v63  }
0x2c: {  	_ =	swait.ge [sflag:s2], $0x6  }
0x2d: {  	[sflag:s2] =	ssyncset.done $0x0  }
0x2e: {  	[sflag:s2] =	ssyncadd.s32 $0xFFFFFFFA  }
0x2f: {  	v7 =	vld [tilespmem:$0x5200];
	_ =	sdelay $0x4  }
0x30: {  	v7 =	vadd.s32 v3, v7  }
0x31: {  	s16 =	simm.s32 $0x10;
	s17 =	simm.s32 $0x5280;
	s18 =	rddreg [dreg:$0x2];
	[tilespmem:$0x5200] =	vst v7  }
0x32: {  	[tilespmem:s17], [sflag:$0x3] =	stream.indirect.gather [hbm4b:s18+s16], $0x1, s3, s16, $0xb8;
	[tilespmem:$0x11700] =	vst v63  }
0x33: {  	s16 =	rddreg [dreg:$0x3];
	[tilespmem:$0x5000] =	vst v5  }
0x34: {  	[tilespmem:s4], [sflag:$0x5] =	stream.linear.gather [hbm4b:s16+s15], $0x1, $0x38;
	[tilespmem:$0x11700] =	vst v63  }
0x35: {  	_ =	strace $0x80000049  }
0x36: {  	_ =	swait.ge [sflag:s7], $0x10  }
0x37: {  	[sflag:s7] =	ssyncset.done $0x0  }
0x38: {  	[sflag:s7] =	ssyncadd.s32 $0xFFFFFFF0  }
0x39: {  	_ =	swait.ge [sflag:s8], $0x1  }
0x3a: {  	[sflag:s8] =	ssyncset.done $0x0  }
0x3b: {  	[sflag:s8] =	ssyncadd.s32 $0xFFFFFFFF  }
0x3c: {  	v7 =	vld [tilespmem:$0x5280]  }
0x3d: {  	v8 =	vld [tilespmem:$0x5000];
	_ =	strace $0x90000049  }
0x3e: {  	_ =	strace $0x8000004A  }
0x3f: {  	_ =	swait.ge [sflag:s9], $0x2800  }
0x40: {  	[sflag:s9] =	ssyncset.done $0x0  }
0x41: {  	[sflag:s9] =	ssyncadd.s32 $0xFFFFD800  }
0x42: {  	_ =	swait.ge [sflag:s10], $0x1880  }
0x43: {  	[sflag:s10] =	ssyncset.done $0x0  }
0x44: {  	[sflag:s10] =	ssyncadd.s32 $0xFFFFE780  }
0x45: {  	[bflag:$0x0] =	sbarrier.arrive $0xFFFF  }
0x46: {  	_ =	strace $0x9000004A  }
0x47: {  	_ =	strace $0x8000004B  }
0x48: {  	s18 =	simm.s32 $0x2800;
	s17 =	rddreg [dreg:$0x8]  }
0x49: {  	[tilespmem:s18], [sflag:$0x1] =	stream.indirect.gather [spmem:s17], $0x1, s15, s11, $0x2000b8;
	[tilespmem:$0x11700] =	vst v63  }
0x4a: {  	s17 =	rddreg [dreg:$0x9];
	s18 =	simm.s32 $0x2A00  }
0x4b: {  	[tilespmem:s18], [sflag:$0x1] =	stream.indirect.gather [spmem:s17], $0x1, s11, s11, $0x2000b8;
	[tilespmem:$0x11700] =	vst v63  }
0x4c: {  	s17 =	rddreg [dreg:$0xa];
	s18 =	simm.s32 $0x2C00  }
0x4d: {  	[tilespmem:s18], [sflag:$0x1] =	stream.indirect.gather [spmem:s17], $0x1, s1, s11, $0x2000b8;
	[tilespmem:$0x11700] =	vst v63  }
0x4e: {  	s16 =	rddreg [dreg:$0xb];
	s17 =	simm.s32 $0x600;
	s18 =	simm.s32 $0x2E00  }
0x4f: {  	[tilespmem:s18], [sflag:$0x1] =	stream.indirect.gather [spmem:s16], $0x1, s17, s11, $0x2000b8;
	[tilespmem:$0x11700] =	vst v63  }
0x50: {  	s16 =	rddreg [dreg:$0xc];
	s17 =	simm.s32 $0x800;
	s18 =	simm.s32 $0x3000  }
0x51: {  	[tilespmem:s18], [sflag:$0x1] =	stream.indirect.gather [spmem:s16], $0x1, s17, s11, $0x2000b8;
	[tilespmem:$0x11700] =	vst v63  }
0x52: {  	s16 =	rddreg [dreg:$0xd];
	s17 =	simm.s32 $0xA00;
	s18 =	simm.s32 $0x3200  }
0x53: {  	[tilespmem:s18], [sflag:$0x1] =	stream.indirect.gather [spmem:s16], $0x1, s17, s11, $0x2000b8;
	[tilespmem:$0x11700] =	vst v63  }
0x54: {  	s16 =	rddreg [dreg:$0xe];
	s17 =	simm.s32 $0xC00;
	s18 =	simm.s32 $0x3400  }
0x55: {  	[tilespmem:s18], [sflag:$0x1] =	stream.indirect.gather [spmem:s16], $0x1, s17, s11, $0x2000b8;
	[tilespmem:$0x11700] =	vst v63  }
0x56: {  	s16 =	rddreg [dreg:$0xf];
	s17 =	simm.s32 $0xE00;
	s18 =	simm.s32 $0x3600  }
0x57: {  	[tilespmem:s18], [sflag:$0x1] =	stream.indirect.gather [spmem:s16], $0x1, s17, s11, $0x2000b8;
	[tilespmem:$0x11700] =	vst v63  }
0x58: {  	s16 =	rddreg [dreg:$0x10];
	s17 =	simm.s32 $0x1000;
	s18 =	simm.s32 $0x3800  }
0x59: {  	[tilespmem:s18], [sflag:$0x1] =	stream.indirect.gather [spmem:s16], $0x1, s17, s11, $0x2000b8;
	[tilespmem:$0x11700] =	vst v63  }
0x5a: {  	s16 =	rddreg [dreg:$0x11];
	s17 =	simm.s32 $0x1200;
	s18 =	simm.s32 $0x3A00  }
0x5b: {  	[tilespmem:s18], [sflag:$0x1] =	stream.indirect.gather [spmem:s16], $0x1, s17, s11, $0x2000b8;
	[tilespmem:$0x11700] =	vst v63  }
0x5c: {  	s16 =	rddreg [dreg:$0x12];
	s17 =	simm.s32 $0x1400;
	s18 =	simm.s32 $0x3C00  }
0x5d: {  	[tilespmem:s18], [sflag:$0x1] =	stream.indirect.gather [spmem:s16], $0x1, s17, s11, $0x2000b8;
	[tilespmem:$0x11700] =	vst v63  }
0x5e: {  	s17 =	simm.s32 $0x1600;
	s18 =	simm.s32 $0x3E00  }
0x5f: {  	[tilespmem:s18], [sflag:$0x1] =	stream.indirect.gather [spmem:s19], $0x1, s17, s11, $0x2000b8;
	[tilespmem:$0x11700] =	vst v63  }
0x60: {  	s17 =	simm.s32 $0x1800;
	s18 =	simm.s32 $0x4000  }
0x61: {  	[tilespmem:s18], [sflag:$0x1] =	stream.indirect.gather [spmem:s20], $0x1, s17, s11, $0x2000b8;
	[tilespmem:$0x11700] =	vst v63  }
0x62: {  	s17 =	simm.s32 $0x1A00;
	s18 =	simm.s32 $0x4200  }
0x63: {  	[tilespmem:s18], [sflag:$0x1] =	stream.indirect.gather [spmem:s22], $0x1, s17, s11, $0x2000b8;
	[tilespmem:$0x11700] =	vst v63  }
0x64: {  	s17 =	simm.s32 $0x1C00;
	s18 =	simm.s32 $0x4400  }
0x65: {  	[tilespmem:s18], [sflag:$0x1] =	stream.indirect.gather [spmem:s23], $0x1, s17, s11, $0x2000b8;
	[tilespmem:$0x11700] =	vst v63  }
0x66: {  	s17 =	simm.s32 $0x1E00;
	s18 =	simm.s32 $0x4600  }
0x67: {  	[tilespmem:s18], [sflag:$0x1] =	stream.indirect.gather [spmem:s24], $0x1, s17, s11, $0x2000b8;
	[tilespmem:$0x11700] =	vst v63  }
0x68: {  	s17 =	simm.s32 $0x2000;
	s18 =	simm.s32 $0x4800  }
0x69: {  	v7 =	vnsel vm0, $0x0, v7;
	[tilespmem:s18], [sflag:$0x1] =	stream.indirect.gather [spmem:s25], $0x1, s17, s11, $0x2000b8;
	[tilespmem:$0x11700] =	vst v63  }
0x6a: {  	v7 =	vadd.f32 v8, v7;
	s17 =	simm.s32 $0x2200;
	s18 =	simm.s32 $0x4A00  }
0x6b: {  	[tilespmem:s18], [sflag:$0x1] =	stream.indirect.gather [spmem:s26], $0x1, s17, s11, $0x2000b8;
	[tilespmem:$0x11700] =	vst v63  }
0x6c: {  	v8 =	vperm.xlane v7, v1;
	s17 =	simm.s32 $0x2400;
	s18 =	simm.s32 $0x4C00  }
0x6d: {  	[tilespmem:s18], [sflag:$0x1] =	stream.indirect.gather [spmem:s28], $0x1, s17, s11, $0x2000b8;
	[tilespmem:$0x11700] =	vst v63  }
0x6e: {  	v7 =	vadd.f32 v8, v7;
	s17 =	simm.s32 $0x2600;
	s18 =	simm.s32 $0x4E00  }
0x6f: {  	[tilespmem:s18], [sflag:$0x1] =	stream.indirect.gather [spmem:s29], $0x1, s17, s11, $0x2000b8;
	[tilespmem:$0x11700] =	vst v63  }
0x70: {  	v8 =	vperm.xlane v7, v2;
	_ =	strace $0x9000004B  }
0x71: {  	_ =	strace $0x8000004C  }
0x72: {  	v7 =	vadd.f32 v8, v7;
	_ =	swait.ge [sflag:s12], $0x2800  }
0x73: {  	[sflag:s12] =	ssyncset.done $0x0  }
0x74: {  	v8 =	vperm.xlane v7, v4;
	[sflag:s12] =	ssyncadd.s32 $0xFFFFD800  }
0x75: {  	_ =	strace $0x9000004C  }
0x76: {  	s14 =	simm.s32 $0x3C10;
	v7 =	vadd.f32 v8, v7;
	_ =	strace $0x8000004D  }
0x77: {  	v8 =	vld [tilespmem:s14+$0xFFFFEBF0]  }
0x78: {  	s15 =	sand.u32 $0x1E0, s15;
	v9 =	vperm.xlane v7, v6;
	v10 =	vld [tilespmem:s14+$0xFFFFEC00]  }
0x79: {  	v11 =	vld [tilespmem:s15+$0x2A00]  }
0x7a: {  	v7 =	vadd.f32 v9, v7;
	v9 =	vld [tilespmem:s14+$0xFFFFEE00]  }
0x7b: {  	v12 =	vld [tilespmem:s15+$0x2C00]  }
0x7c: {  	v13 =	vld [tilespmem:s14+$0xFFFFF000];
	v8 =	vadd.f32 v8, v7  }
0x7d: {  	v14 =	vld [tilespmem:s15+$0x2E00];
	v10 =	vadd.f32 v10, v7  }
0x7e: {  	v8 =	vadd.f32 v11, v8;
	v11 =	vld [tilespmem:s14+$0xFFFFF200]  }
0x7f: {  	v15 =	vld [tilespmem:s15+$0x3000];
	v9 =	vadd.f32 v9, v10  }
0x80: {  	v10 =	vld [tilespmem:s14+$0xFFFFF400];
	v8 =	vadd.f32 v12, v8  }
0x81: {  	v44 =	vld [tilespmem:s15+$0x3200];
	v9 =	vadd.f32 v13, v9  }
0x82: {  	v45 =	vld [tilespmem:s14+$0xFFFFF600];
	v8 =	vadd.f32 v14, v8  }
0x83: {  	v46 =	vld [tilespmem:s15+$0x3400];
	v9 =	vadd.f32 v11, v9  }
0x84: {  	v11 =	vld [tilespmem:s14+$0xFFFFF800];
	v8 =	vadd.f32 v15, v8  }
0x85: {  	v47 =	vld [tilespmem:s15+$0x3600];
	v9 =	vadd.f32 v10, v9  }
0x86: {  	v10 =	vld [tilespmem:s14+$0xFFFFFA00];
	v8 =	vadd.f32 v44, v8  }
0x87: {  	v48 =	vld [tilespmem:s15+$0x3800];
	v9 =	vadd.f32 v45, v9  }
0x88: {  	v49 =	vld [tilespmem:s14+$0xFFFFFC00];
	v8 =	vadd.f32 v46, v8  }
0x89: {  	v50 =	vld [tilespmem:s15+$0x3A00];
	v9 =	vadd.f32 v11, v9  }
0x8a: {  	v11 =	vld [tilespmem:s14+$0xFFFFFE00];
	v8 =	vadd.f32 v47, v8  }
0x8b: {  	v51 =	vld [tilespmem:s15+$0x3C00];
	v9 =	vadd.f32 v10, v9  }
0x8c: {  	v10 =	vld [tilespmem:s14+$0x0];
	v8 =	vadd.f32 v48, v8  }
0x8d: {  	v52 =	vld [tilespmem:s15+$0x3E00];
	v9 =	vadd.f32 v49, v9  }
0x8e: {  	v53 =	vld [tilespmem:s14+$0x200];
	v8 =	vadd.f32 v50, v8  }
0x8f: {  	v54 =	vld [tilespmem:s15+$0x4000];
	v9 =	vadd.f32 v11, v9  }
0x90: {  	v11 =	vld [tilespmem:s14+$0x400];
	v8 =	vadd.f32 v51, v8  }
0x91: {  	v55 =	vld [tilespmem:s15+$0x4200];
	v9 =	vadd.f32 v10, v9  }
0x92: {  	v10 =	vld [tilespmem:s14+$0x600];
	v8 =	vadd.f32 v52, v8  }
0x93: {  	v56 =	vld [tilespmem:s15+$0x4400];
	v9 =	vadd.f32 v53, v9  }
0x94: {  	v57 =	vld [tilespmem:s14+$0x800];
	v8 =	vadd.f32 v54, v8  }
0x95: {  	v58 =	vld [tilespmem:s15+$0x4600];
	v9 =	vadd.f32 v11, v9  }
0x96: {  	v11 =	vld [tilespmem:s14+$0xA00];
	v8 =	vadd.f32 v55, v8  }
0x97: {  	v59 =	vld [tilespmem:s15+$0x4800];
	v9 =	vadd.f32 v10, v9  }
0x98: {  	v10 =	vld [tilespmem:s14+$0xC00];
	v8 =	vadd.f32 v56, v8  }
0x99: {  	v60 =	vld [tilespmem:s15+$0x4A00];
	v9 =	vadd.f32 v57, v9  }
0x9a: {  	v61 =	vld [tilespmem:s14+$0xE00];
	v8 =	vadd.f32 v58, v8  }
0x9b: {  	v62 =	vld [tilespmem:s15+$0x4C00];
	v9 =	vadd.f32 v11, v9  }
0x9c: {  	v11 =	vld [tilespmem:s14+$0x1000];
	v8 =	vadd.f32 v59, v8  }
0x9d: {  	v63 =	vld [tilespmem:s15+$0x4E00];
	v9 =	vadd.f32 v10, v9  }
0x9e: {  	v10 =	vld [tilespmem:s14+$0x1200];
	v8 =	vadd.f32 v60, v8  }
0x9f: {  	v9 =	vadd.f32 v61, v9  }
0xa0: {  	v8 =	vadd.f32 v62, v8  }
0xa1: {  	v9 =	vadd.f32 v11, v9  }
0xa2: {  	v11 =	vadd.f32 v63, v8  }
0xa3: {  	s15 =	simm.s32 $0x5010;
	v8 =	vadd.f32 v10, v9  }
0xa4: {  	s16 =	simm.s32 $0x20;
	[tilespmem:s15+$0xFFFFFFF0] =	vst v11  }
.LBB2_4:
0xa5: {  	p0 =	sne.s32 s16, $0x1E0;
	[tilespmem:s15+$0x0] =	vst v8;
	s14 =	sadd.s32 $0x20, s14;
	s15 =	sadd.s32 $0x20, s15  }
0xa6: {  	s17 =	smov.u32 s16;
	s16 =	sadd.s32 $0x20, s16;
	v8 =	vld [tilespmem:s14+$0xFFFFEBF0]  }
0xa7: {  	s17 =	sand.u32 $0x1E0, s17;
	v9 =	vld [tilespmem:s14+$0xFFFFEC00]  }
0xa8: {  	v10 =	vld [tilespmem:s17+$0x2A00]  }
0xa9: {  	v11 =	vld [tilespmem:s14+$0xFFFFEE00]  }
0xaa: {  	v12 =	vld [tilespmem:s17+$0x2C00]  }
0xab: {  	v8 =	vadd.f32 v8, v7;
	v13 =	vld [tilespmem:s14+$0xFFFFF000]  }
0xac: {  	v9 =	vadd.f32 v9, v7;
	v14 =	vld [tilespmem:s17+$0x2E00]  }
0xad: {  	v8 =	vadd.f32 v10, v8;
	v10 =	vld [tilespmem:s14+$0xFFFFF200]  }
0xae: {  	v9 =	vadd.f32 v11, v9;
	v11 =	vld [tilespmem:s17+$0x3000]  }
0xaf: {  	v8 =	vadd.f32 v12, v8;
	v12 =	vld [tilespmem:s14+$0xFFFFF400]  }
0xb0: {  	v9 =	vadd.f32 v13, v9;
	v13 =	vld [tilespmem:s17+$0x3200]  }
0xb1: {  	v8 =	vadd.f32 v14, v8;
	v14 =	vld [tilespmem:s14+$0xFFFFF600]  }
0xb2: {  	v9 =	vadd.f32 v10, v9;
	v10 =	vld [tilespmem:s17+$0x3400]  }
0xb3: {  	v8 =	vadd.f32 v11, v8;
	v11 =	vld [tilespmem:s14+$0xFFFFF800]  }
0xb4: {  	v9 =	vadd.f32 v12, v9;
	v12 =	vld [tilespmem:s17+$0x3600]  }
0xb5: {  	v8 =	vadd.f32 v13, v8;
	v13 =	vld [tilespmem:s14+$0xFFFFFA00]  }
0xb6: {  	v9 =	vadd.f32 v14, v9;
	v14 =	vld [tilespmem:s17+$0x3800]  }
0xb7: {  	v8 =	vadd.f32 v10, v8;
	v10 =	vld [tilespmem:s14+$0xFFFFFC00]  }
0xb8: {  	v9 =	vadd.f32 v11, v9;
	v11 =	vld [tilespmem:s17+$0x3A00]  }
0xb9: {  	v8 =	vadd.f32 v12, v8;
	v12 =	vld [tilespmem:s14+$0xFFFFFE00]  }
0xba: {  	v9 =	vadd.f32 v13, v9;
	v13 =	vld [tilespmem:s17+$0x3C00]  }
0xbb: {  	v8 =	vadd.f32 v14, v8;
	v14 =	vld [tilespmem:s14+$0x0]  }
0xbc: {  	v9 =	vadd.f32 v10, v9;
	v10 =	vld [tilespmem:s17+$0x3E00]  }
0xbd: {  	v8 =	vadd.f32 v11, v8;
	v11 =	vld [tilespmem:s14+$0x200]  }
0xbe: {  	v9 =	vadd.f32 v12, v9;
	v12 =	vld [tilespmem:s17+$0x4000]  }
0xbf: {  	v8 =	vadd.f32 v13, v8;
	v13 =	vld [tilespmem:s14+$0x400]  }
0xc0: {  	v9 =	vadd.f32 v14, v9;
	v14 =	vld [tilespmem:s17+$0x4200]  }
0xc1: {  	v8 =	vadd.f32 v10, v8;
	v10 =	vld [tilespmem:s14+$0x600]  }
0xc2: {  	v9 =	vadd.f32 v11, v9;
	v11 =	vld [tilespmem:s17+$0x4400]  }
0xc3: {  	v8 =	vadd.f32 v12, v8;
	v12 =	vld [tilespmem:s14+$0x800]  }
0xc4: {  	v9 =	vadd.f32 v13, v9;
	v13 =	vld [tilespmem:s17+$0x4600]  }
0xc5: {  	v8 =	vadd.f32 v14, v8;
	v14 =	vld [tilespmem:s14+$0xA00]  }
0xc6: {  	v9 =	vadd.f32 v10, v9;
	v10 =	vld [tilespmem:s17+$0x4800]  }
0xc7: {  	v8 =	vadd.f32 v11, v8;
	v11 =	vld [tilespmem:s14+$0xC00]  }
0xc8: {  	v9 =	vadd.f32 v12, v9;
	v12 =	vld [tilespmem:s17+$0x4A00]  }
0xc9: {  	v8 =	vadd.f32 v13, v8;
	v13 =	vld [tilespmem:s14+$0xE00]  }
0xca: {  	v9 =	vadd.f32 v14, v9;
	v14 =	vld [tilespmem:s17+$0x4C00]  }
0xcb: {  	v8 =	vadd.f32 v10, v8;
	v10 =	vld [tilespmem:s14+$0x1000]  }
0xcc: {  	v9 =	vadd.f32 v11, v9;
	v11 =	vld [tilespmem:s17+$0x4E00]  }
0xcd: {  	v8 =	vadd.f32 v12, v8;
	v12 =	vld [tilespmem:s14+$0x1200]  }
0xce: {  	v9 =	vadd.f32 v13, v9  }
.Ltmp1:
0xcf: {  	v8 =	vadd.f32 v14, v8;
	(pc) =	sbr.rel @p0 .LBB2_4-.Ltmp1, $4  }
0xd0: {  	v9 =	vadd.f32 v10, v9  }
0xd1: {  	v10 =	vadd.f32 v11, v8  }
0xd2: {  	v8 =	vadd.f32 v12, v9  }
0xd3: {  	[tilespmem:s15+$0xFFFFFFF0] =	vst v10  }
0xd4: {  	s13 =	sadd.s32 $0x1, s13  }
0xd5: {  	[tilespmem:s15+$0x0] =	vst v8;
	p0 =	sne.s32 s13, s30  }
.Ltmp2:
0xd6: {  	_ =	strace $0x9000004D;
	(pc) =	sbr.rel @p0 .LBB2_1-.Ltmp2, $4  }
0xd7: {  	[hbm4b:s21+s5] =	stream.linear.scatter [tilespmem:s4], [sflag:$0x6], $0x200, $0x38;
	[tilespmem:$0x11700] =	vst v63  }
0xd8: {  	_ =	swait.ge [sflag:s2], $0x200  }
0xd9: {  	[sflag:s2] =	ssyncset.done $0x0  }
0xda: {  	[sflag:s2] =	ssyncadd.s32 $0xFFFFFE00  }
0xdb: {  	_ =	sfence.sel $0x180000  }
0xdc: {  	[bflag:$0x0] =	sbarrier.arrive $0xFFFF  }
0xdd: {  	_ =	strace $0x90000047  }
0xde: {  	s0 =	stileid.u32;
	[bflag:$0x2] =	sbarrier.arrive $0xFFFF  }
0xdf: {  	p0 =	sne.s32 s0, $0x0;
	s0 =	rddreg [dreg:$0x6]  }
0xe0: {  	s0 =	sadd.s32 @!p0 $0x100000, s0  }
0xe1: {  	[sflag:s0] =	ssyncadd.tile.s32 @!p0 $0x1;
	_ =	shalt  }
.Lfunc_end2:
_tile_overlayer_lowered:
.L_overlay_start_2:
0xe2: {  	(tag) =	ssettag $0x2  }
0xe3: {  	s0 =	rddreg [dreg:$0x0];
	s2 =	stileid.u32  }
0xe4: {  	s1 =	rddreg [dreg:$0x1];
	p0 =	sne.s32 s2, $0x0  }
0xe5: {  	s3 =	rddreg [dreg:$0x2];
	[bflag:$0x3] =	sbarrier.arrive $0xFFFF;
	s2 =	simm.s32 @!p0 $0x1C06  }
0xe6: {  	[timem:s3], [sflag:s2] =	dma.local @!p0 [hbm:s0], s1  }
0xe7: {  	s0 =	simm.s32 @!p0 $0x6  }
0xe8: {  	_ =	swait.ge @!p0 [sflag:s0], s1  }
0xe9: {  	s1 =	ssub.s32 @!p0 $0x0, s1;
	[sflag:s0] =	ssyncset.done @!p0 $0x0  }
0xea: {  	[sflag:s0] =	ssyncadd.s32 @!p0 s1  }
0xeb: {  	[bflag:$0x3] =	sbarrier.arrive $0xFFFF  }
0xec: {  	_ =	shalt  }

</sc_bundles>
